<compile_context>
chip_gen: v7x
topology: tpu7x:2x2x1
jax: 0.10.2.dev20260603
libtpu: 0.0.44.dev20260713+nightly
codegen_flags: <defaults>
</compile_context>

<pallas_src>
import jax
import jax.numpy as jnp
from jax import lax
from jax.experimental import pallas as pl
from jax.experimental.pallas import tpu as pltpu
from jax.experimental.pallas import tpu_sc as plsc

NC = 2
NS = 16
L = 16
NW = NC * NS
B = 16384
D = 32
PK = 128 // D
BPW = B // NW
CT = 128
NCH = BPW // CT


def _dot_body(users_hbm, items_hbm, uemb_hbm, iemb_hbm, out_hbm,
              uidx_v, iidx_v, utid_v, itid_v, ubuf_v, ibuf_v,
              hbuf_v, out_v, sem_u, sem_i):
    wid = lax.axis_index("s") * NC + lax.axis_index("c")
    base = wid * BPW

    pltpu.sync_copy(users_hbm.at[pl.ds(base, BPW)], uidx_v)
    pltpu.sync_copy(items_hbm.at[pl.ds(base, BPW)], iidx_v)

    def tid(j, carry):
        sl = pl.ds(j * L, L)
        utid_v[sl] = lax.shift_right_logical(uidx_v[sl], 2)
        itid_v[sl] = lax.shift_right_logical(iidx_v[sl], 2)
        return carry

    lax.fori_loop(0, BPW // L, tid, 0)

    lanes = lax.iota(jnp.int32, L)
    scatter_base = lanes * CT

    def chunk(c, carry):
        sl = pl.ds(c * CT, CT)
        pltpu.async_copy(uemb_hbm.at[utid_v.at[sl]], ubuf_v, sem_u)
        pltpu.async_copy(iemb_hbm.at[itid_v.at[sl]], ibuf_v, sem_i)
        pltpu.make_async_copy(uemb_hbm.at[pl.ds(0, CT)], ubuf_v, sem_u).wait()
        pltpu.make_async_copy(iemb_hbm.at[pl.ds(0, CT)], ibuf_v, sem_i).wait()

        def row_pass(j0, carry2):
            uvec = uidx_v[pl.ds(c * CT + j0 * L, L)]
            ivec = iidx_v[pl.ds(c * CT + j0 * L, L)]
            ucols = lax.shift_left(lax.bitwise_and(uvec, PK - 1), 5)
            icols = lax.shift_left(lax.bitwise_and(ivec, PK - 1), 5)
            for k in range(L):
                j = j0 * L + k
                uc = ucols[k]
                ic = icols[k]
                u0 = ubuf_v[j, pl.ds(uc, L)]
                u1 = ubuf_v[j, pl.ds(uc + L, L)]
                i0 = ibuf_v[j, pl.ds(ic, L)]
                i1 = ibuf_v[j, pl.ds(ic + L, L)]
                h = u0 * i0 + u1 * i1
                plsc.store_scatter(hbuf_v, [scatter_base + j], h)
            return carry2

        lax.fori_loop(0, CT // L, row_pass, 0)

        def group_pass(g, carry2):
            acc = jnp.zeros((L,), jnp.float32)
            for d in range(L):
                acc = acc + hbuf_v[pl.ds(d * CT + g * L, L)]
            out_v[pl.ds(c * CT + g * L, L)] = acc
            return carry2

        lax.fori_loop(0, CT // L, group_pass, 0)
        return carry

    lax.fori_loop(0, NCH, chunk, 0)

    pltpu.sync_copy(out_v, out_hbm.at[pl.ds(base, BPW)])


def kernel(users, items, user_emb, item_emb):
    z = lax.optimization_barrier(jnp.float32(0.0))
    upk = user_emb.reshape(user_emb.shape[0] // PK, PK * D) + z
    ipk = item_emb.reshape(item_emb.shape[0] // PK, PK * D) + z
    mesh = plsc.VectorSubcoreMesh(core_axis_name="c", subcore_axis_name="s")
    run = pl.kernel(
        _dot_body,
        out_type=jax.ShapeDtypeStruct((B,), jnp.float32),
        mesh=mesh,
        compiler_params=pltpu.CompilerParams(
            needs_layout_passes=False, use_tc_tiling_on_sc=True),
        scratch_types=[
            pltpu.VMEM((BPW,), jnp.int32),
            pltpu.VMEM((BPW,), jnp.int32),
            pltpu.VMEM((BPW,), jnp.int32),
            pltpu.VMEM((BPW,), jnp.int32),
            pltpu.VMEM((CT, PK * D), jnp.float32),
            pltpu.VMEM((CT, PK * D), jnp.float32),
            pltpu.VMEM((L * CT,), jnp.float32),
            pltpu.VMEM((BPW,), jnp.float32),
            pltpu.SemaphoreType.DMA,
            pltpu.SemaphoreType.DMA,
        ],
    )
    return run(users.astype(jnp.int32), items.astype(jnp.int32), upk, ipk)

# --- scband reference (transcript-rebuilt; emitter-appended) ---
"""Pipeline reference for scband-matrix-factorization-32427003085011 (READ-ONLY COPY).

The authoritative reference and input builder live on the scoring server;
editing this copy changes nothing except your own understanding.
"""

import jax, jax.numpy as jnp
import numpy as np

N_USERS = 1000000
N_ITEMS = 1000000
DIM = 32
BATCH = 16384

def setup_inputs(seed: int = 0) -> dict:
    key = jax.random.key(seed)
    k1, k2, k3, k4 = jax.random.split(key, 4)
    users = jax.random.randint(k1, (BATCH,), 0, N_USERS, dtype=jnp.int64 if jax.config.jax_enable_x64 else jnp.int32)
    items = jax.random.randint(k2, (BATCH,), 0, N_ITEMS, dtype=jnp.int64 if jax.config.jax_enable_x64 else jnp.int32)
    user_emb = jax.random.normal(k3, (N_USERS, DIM), dtype=jnp.float32) * 0.01
    item_emb = jax.random.normal(k4, (N_ITEMS, DIM), dtype=jnp.float32) * 0.01
    return {"users": users, "items": items, "user_emb": user_emb, "item_emb": item_emb}

def reference(users, items, user_emb, item_emb):
    u = jnp.take(user_emb, users, axis=0)
    v = jnp.take(item_emb, items, axis=0)
    return (u * v).sum(axis=1)

if __name__ == "__main__":
    import jax
    _d = setup_inputs()
    print(jax.jit(kernel)(*tuple(_d.values())))

</pallas_src>

<mosaic_0001>
#map = affine_map<(d0, d1) -> (0)>
#map1 = affine_map<(d0, d1) -> (0, 0)>
module attributes {stable_mosaic.version = 14 : i64} {
  func.func @_dot_body(%arg0: i32, %arg1: i32, %arg2: memref<16384xi32, #tpu.memory_space<hbm>>, %arg3: memref<16384xi32, #tpu.memory_space<hbm>>, %arg4: memref<250000x128xf32, #tpu.memory_space<hbm>>, %arg5: memref<250000x128xf32, #tpu.memory_space<hbm>>, %arg6: memref<16384xf32, #tpu.memory_space<hbm>>, %arg7: memref<512xi32, #tpu.memory_space<vmem>>, %arg8: memref<512xi32, #tpu.memory_space<vmem>>, %arg9: memref<512xi32, #tpu.memory_space<vmem>>, %arg10: memref<512xi32, #tpu.memory_space<vmem>>, %arg11: memref<128x128xf32, #tpu.memory_space<vmem>>, %arg12: memref<128x128xf32, #tpu.memory_space<vmem>>, %arg13: memref<2048xf32, #tpu.memory_space<vmem>>, %arg14: memref<512xf32, #tpu.memory_space<vmem>>, %arg15: memref<!tpu.dma_semaphore, #tpu.memory_space<semaphore_mem>>, %arg16: memref<!tpu.dma_semaphore, #tpu.memory_space<semaphore_mem>>) attributes {dimension_semantics = [#tpu.dimension_semantics<core_parallel>, #tpu.dimension_semantics<subcore_parallel>], iteration_bounds = array<i64: 2, 16>, scalar_prefetch = 0 : i64, scratch_operands = 10 : i64, tpu.core_type = #tpu.core_type<sc_vector_subcore>, window_params = [{transform_indices = #map}, {transform_indices = #map}, {transform_indices = #map1}, {transform_indices = #map1}, {transform_indices = #map}]} {
    %mul3A = arith.constant 2 : i32
    %mul3A_0 = arith.muli %arg1, %mul3A : i32
    %add3A = arith.addi %mul3A_0, %arg0 : i32
    %mul3A_1 = arith.constant 512 : i32
    %mul3A_2 = arith.muli %add3A, %mul3A_1 : i32
    "tpu.region"() ({
      %run_scoped3A = tpu.sem_alloc : memref<!tpu.dma_semaphore, #tpu.memory_space<semaphore_mem>>
      %dma_start3A = tpu.memref_slice %arg2[%mul3A_2] : memref<16384xi32, #tpu.memory_space<hbm>> -> memref<512xi32, #tpu.memory_space<hbm>>
      %dma_start3A_17 = tpu.memref_slice %arg2[%mul3A_2] : memref<16384xi32, #tpu.memory_space<hbm>> -> memref<512xi32, #tpu.memory_space<hbm>>
      tpu.enqueue_dma source(%dma_start3A_17 : memref<512xi32, #tpu.memory_space<hbm>>) target(%arg7 : memref<512xi32, #tpu.memory_space<vmem>>) target_semaphore(%run_scoped3A : memref<!tpu.dma_semaphore, #tpu.memory_space<semaphore_mem>>)
      %dma_wait3A = tpu.memref_slice %arg2[%mul3A_2] : memref<16384xi32, #tpu.memory_space<hbm>> -> memref<512xi32, #tpu.memory_space<hbm>>
      %dma_wait3A_18 = tpu.memref_slice %arg2[%mul3A_2] : memref<16384xi32, #tpu.memory_space<hbm>> -> memref<512xi32, #tpu.memory_space<hbm>>
      tpu.wait_dma2 semaphore(%run_scoped3A : memref<!tpu.dma_semaphore, #tpu.memory_space<semaphore_mem>>) src(%dma_wait3A_18 : memref<512xi32, #tpu.memory_space<hbm>>) dst(%arg7 : memref<512xi32, #tpu.memory_space<vmem>>)
      tpu.yield
    }) : () -> ()
    "tpu.region"() ({
      %run_scoped3A = tpu.sem_alloc : memref<!tpu.dma_semaphore, #tpu.memory_space<semaphore_mem>>
      %dma_start3A = tpu.memref_slice %arg3[%mul3A_2] : memref<16384xi32, #tpu.memory_space<hbm>> -> memref<512xi32, #tpu.memory_space<hbm>>
      %dma_start3A_17 = tpu.memref_slice %arg3[%mul3A_2] : memref<16384xi32, #tpu.memory_space<hbm>> -> memref<512xi32, #tpu.memory_space<hbm>>
      tpu.enqueue_dma source(%dma_start3A_17 : memref<512xi32, #tpu.memory_space<hbm>>) target(%arg8 : memref<512xi32, #tpu.memory_space<vmem>>) target_semaphore(%run_scoped3A : memref<!tpu.dma_semaphore, #tpu.memory_space<semaphore_mem>>)
      %dma_wait3A = tpu.memref_slice %arg3[%mul3A_2] : memref<16384xi32, #tpu.memory_space<hbm>> -> memref<512xi32, #tpu.memory_space<hbm>>
      %dma_wait3A_18 = tpu.memref_slice %arg3[%mul3A_2] : memref<16384xi32, #tpu.memory_space<hbm>> -> memref<512xi32, #tpu.memory_space<hbm>>
      tpu.wait_dma2 semaphore(%run_scoped3A : memref<!tpu.dma_semaphore, #tpu.memory_space<semaphore_mem>>) src(%dma_wait3A_18 : memref<512xi32, #tpu.memory_space<hbm>>) dst(%arg8 : memref<512xi32, #tpu.memory_space<vmem>>)
      tpu.yield
    }) : () -> ()
    %scan3A = arith.constant 0 : i32
    %scan3A_3 = arith.constant 0 : i32
    %scan3A_4 = arith.constant 32 : i32
    %scan3A_5 = arith.addi %scan3A_3, %scan3A_4 : i32
    %scan3A_6 = arith.constant 1 : i32
    scf.for %scan3A_17 = %scan3A_3 to %scan3A_5 step %scan3A_6  : i32 {
      %mul3A_18 = arith.constant 16 : i32
      %mul3A_19 = arith.muli %scan3A_17, %mul3A_18 : i32
      %get3A = arith.index_cast %mul3A_19 : i32 to index
      %get3A_20 = tpu.vector_load %arg7[%get3A] {strides = array<i32>} : memref<512xi32, #tpu.memory_space<vmem>>, vector<16xi32>,
      %shift_right_logical3A = arith.constant 2 : i32
      %shift_right_logical3A_21 = vector.broadcast %shift_right_logical3A : i32 to vector<16xi32>
      %shift_right_logical3A_22 = arith.shrui %get3A_20, %shift_right_logical3A_21 : vector<16xi32>
      %swap3A = arith.index_cast %mul3A_19 : i32 to index
      %swap3A_23 = tpu.vector_load %arg9[%swap3A] {strides = array<i32>} : memref<512xi32, #tpu.memory_space<vmem>>, vector<16xi32>,
      tpu.vector_store %arg9[%swap3A], %shift_right_logical3A_22 {strides = array<i32>} : memref<512xi32, #tpu.memory_space<vmem>>, vector<16xi32>,
      %get3A_24 = arith.index_cast %mul3A_19 : i32 to index
      %get3A_25 = tpu.vector_load %arg8[%get3A_24] {strides = array<i32>} : memref<512xi32, #tpu.memory_space<vmem>>, vector<16xi32>,
      %shift_right_logical3A_26 = arith.constant 2 : i32
      %shift_right_logical3A_27 = vector.broadcast %shift_right_logical3A_26 : i32 to vector<16xi32>
      %shift_right_logical3A_28 = arith.shrui %get3A_25, %shift_right_logical3A_27 : vector<16xi32>
      %swap3A_29 = arith.index_cast %mul3A_19 : i32 to index
      %swap3A_30 = tpu.vector_load %arg10[%swap3A_29] {strides = array<i32>} : memref<512xi32, #tpu.memory_space<vmem>>, vector<16xi32>,
      tpu.vector_store %arg10[%swap3A_29], %shift_right_logical3A_28 {strides = array<i32>} : memref<512xi32, #tpu.memory_space<vmem>>, vector<16xi32>,
    }
    %scan3A_7 = arith.constant 32 : i32
    %iota3A = tpu.iota {dimensions = array<i32: 0>} : vector<16xi32>
    %mul3A_8 = arith.constant 128 : i32
    %mul3A_9 = vector.broadcast %mul3A_8 : i32 to vector<16xi32>
    %mul3A_10 = arith.muli %iota3A, %mul3A_9 : vector<16xi32>
    %scan3A_11 = arith.constant 0 : i32
    %scan3A_12 = arith.constant 0 : i32
    %scan3A_13 = arith.constant 4 : i32
    %scan3A_14 = arith.addi %scan3A_12, %scan3A_13 : i32
    %scan3A_15 = arith.constant 1 : i32
    scf.for %scan3A_17 = %scan3A_12 to %scan3A_14 step %scan3A_15  : i32 {
      %mul3A_18 = arith.constant 128 : i32
      %mul3A_19 = arith.muli %scan3A_17, %mul3A_18 : i32
      %dma_start3A = tpu.memref_slice %arg9[%mul3A_19] : memref<512xi32, #tpu.memory_space<vmem>> -> memref<128xi32, #tpu.memory_space<vmem>>
      %dma_start3A_20 = arith.constant 0 : i32
      %dma_start3A_21 = arith.constant 0 : i32
      %dma_start3A_22 = tpu.memref_slice %arg4[%dma_start3A_20, %dma_start3A_21] : memref<250000x128xf32, #tpu.memory_space<hbm>> -> memref<250000x128xf32, #tpu.memory_space<hbm>>
      tpu.enqueue_indirect_dma source(%dma_start3A_22 : memref<250000x128xf32, #tpu.memory_space<hbm>>) target(%arg11 : memref<128x128xf32, #tpu.memory_space<vmem>>) offsets(%dma_start3A : memref<128xi32, #tpu.memory_space<vmem>>) semaphore(%arg15 : memref<!tpu.dma_semaphore, #tpu.memory_space<semaphore_mem>>)
      %dma_start3A_23 = tpu.memref_slice %arg10[%mul3A_19] : memref<512xi32, #tpu.memory_space<vmem>> -> memref<128xi32, #tpu.memory_space<vmem>>
      %dma_start3A_24 = arith.constant 0 : i32
      %dma_start3A_25 = arith.constant 0 : i32
      %dma_start3A_26 = tpu.memref_slice %arg5[%dma_start3A_24, %dma_start3A_25] : memref<250000x128xf32, #tpu.memory_space<hbm>> -> memref<250000x128xf32, #tpu.memory_space<hbm>>
      tpu.enqueue_indirect_dma source(%dma_start3A_26 : memref<250000x128xf32, #tpu.memory_space<hbm>>) target(%arg12 : memref<128x128xf32, #tpu.memory_space<vmem>>) offsets(%dma_start3A_23 : memref<128xi32, #tpu.memory_space<vmem>>) semaphore(%arg16 : memref<!tpu.dma_semaphore, #tpu.memory_space<semaphore_mem>>)
      %dma_wait3A = arith.constant 0 : i32
      %dma_wait3A_27 = arith.constant 0 : i32
      %dma_wait3A_28 = tpu.memref_slice %arg4[%dma_wait3A, %dma_wait3A_27] : memref<250000x128xf32, #tpu.memory_space<hbm>> -> memref<128x128xf32, #tpu.memory_space<hbm>>
      %dma_wait3A_29 = arith.constant 0 : i32
      %dma_wait3A_30 = arith.constant 0 : i32
      %dma_wait3A_31 = tpu.memref_slice %arg4[%dma_wait3A_29, %dma_wait3A_30] : memref<250000x128xf32, #tpu.memory_space<hbm>> -> memref<128x128xf32, #tpu.memory_space<hbm>>
      tpu.wait_dma2 semaphore(%arg15 : memref<!tpu.dma_semaphore, #tpu.memory_space<semaphore_mem>>) src(%dma_wait3A_31 : memref<128x128xf32, #tpu.memory_space<hbm>>) dst(%arg11 : memref<128x128xf32, #tpu.memory_space<vmem>>)
      %dma_wait3A_32 = arith.constant 0 : i32
      %dma_wait3A_33 = arith.constant 0 : i32
      %dma_wait3A_34 = tpu.memref_slice %arg5[%dma_wait3A_32, %dma_wait3A_33] : memref<250000x128xf32, #tpu.memory_space<hbm>> -> memref<128x128xf32, #tpu.memory_space<hbm>>
      %dma_wait3A_35 = arith.constant 0 : i32
      %dma_wait3A_36 = arith.constant 0 : i32
      %dma_wait3A_37 = tpu.memref_slice %arg5[%dma_wait3A_35, %dma_wait3A_36] : memref<250000x128xf32, #tpu.memory_space<hbm>> -> memref<128x128xf32, #tpu.memory_space<hbm>>
      tpu.wait_dma2 semaphore(%arg16 : memref<!tpu.dma_semaphore, #tpu.memory_space<semaphore_mem>>) src(%dma_wait3A_37 : memref<128x128xf32, #tpu.memory_space<hbm>>) dst(%arg12 : memref<128x128xf32, #tpu.memory_space<vmem>>)
      %scan3A_38 = arith.constant 0 : i32
      %scan3A_39 = arith.constant 0 : i32
      %scan3A_40 = arith.constant 8 : i32
      %scan3A_41 = arith.addi %scan3A_39, %scan3A_40 : i32
      %scan3A_42 = arith.constant 1 : i32
      scf.for %scan3A_50 = %scan3A_39 to %scan3A_41 step %scan3A_42  : i32 {
        %mul3A_51 = arith.constant 128 : i32
        %mul3A_52 = arith.muli %scan3A_17, %mul3A_51 : i32
        %mul3A_53 = arith.constant 16 : i32
        %mul3A_54 = arith.muli %scan3A_50, %mul3A_53 : i32
        %add3A_55 = arith.addi %mul3A_52, %mul3A_54 : i32
        %get3A = arith.index_cast %add3A_55 : i32 to index
        %get3A_56 = tpu.vector_load %arg7[%get3A] {strides = array<i32>} : memref<512xi32, #tpu.memory_space<vmem>>, vector<16xi32>,
        %mul3A_57 = arith.constant 128 : i32
        %mul3A_58 = arith.muli %scan3A_17, %mul3A_57 : i32
        %mul3A_59 = arith.constant 16 : i32
        %mul3A_60 = arith.muli %scan3A_50, %mul3A_59 : i32
        %add3A_61 = arith.addi %mul3A_58, %mul3A_60 : i32
        %get3A_62 = arith.index_cast %add3A_61 : i32 to index
        %get3A_63 = tpu.vector_load %arg8[%get3A_62] {strides = array<i32>} : memref<512xi32, #tpu.memory_space<vmem>>, vector<16xi32>,
        %and3A = arith.constant 3 : i32
        %and3A_64 = vector.broadcast %and3A : i32 to vector<16xi32>
        %and3A_65 = arith.andi %get3A_56, %and3A_64 : vector<16xi32>
        %shift_left3A = arith.constant 5 : i32
        %shift_left3A_66 = vector.broadcast %shift_left3A : i32 to vector<16xi32>
        %shift_left3A_67 = arith.shli %and3A_65, %shift_left3A_66 : vector<16xi32>
        %and3A_68 = arith.constant 3 : i32
        %and3A_69 = vector.broadcast %and3A_68 : i32 to vector<16xi32>
        %and3A_70 = arith.andi %get3A_63, %and3A_69 : vector<16xi32>
        %shift_left3A_71 = arith.constant 5 : i32
        %shift_left3A_72 = vector.broadcast %shift_left3A_71 : i32 to vector<16xi32>
        %shift_left3A_73 = arith.shli %and3A_70, %shift_left3A_72 : vector<16xi32>
        %mul3A_74 = arith.constant 16 : i32
        %mul3A_75 = arith.muli %scan3A_50, %mul3A_74 : i32
        %add3A_76 = arith.constant 0 : i32
        %add3A_77 = arith.addi %mul3A_75, %add3A_76 : i32
        %slice3A = vector.extract_strided_slice %shift_left3A_67 {offsets = [0], sizes = [1], strides = [1]} : vector<16xi32> to vector<1xi32>
        %squeeze3A = vector.extract %slice3A[0] : i32 from vector<1xi32>
        %slice3A_78 = vector.extract_strided_slice %shift_left3A_73 {offsets = [0], sizes = [1], strides = [1]} : vector<16xi32> to vector<1xi32>
        %squeeze3A_79 = vector.extract %slice3A_78[0] : i32 from vector<1xi32>
        %get3A_80 = arith.index_cast %add3A_77 : i32 to index
        %get3A_81 = arith.index_cast %squeeze3A : i32 to index
        %get3A_82 = tpu.vector_load %arg11[%get3A_80, %get3A_81] {strides = array<i32>} : memref<128x128xf32, #tpu.memory_space<vmem>>, vector<16xf32>,
        %add3A_83 = arith.constant 16 : i32
        %add3A_84 = arith.addi %squeeze3A, %add3A_83 : i32
        %get3A_85 = arith.index_cast %add3A_77 : i32 to index
        %get3A_86 = arith.index_cast %add3A_84 : i32 to index
        %get3A_87 = tpu.vector_load %arg11[%get3A_85, %get3A_86] {strides = array<i32>} : memref<128x128xf32, #tpu.memory_space<vmem>>, vector<16xf32>,
        %get3A_88 = arith.index_cast %add3A_77 : i32 to index
        %get3A_89 = arith.index_cast %squeeze3A_79 : i32 to index
        %get3A_90 = tpu.vector_load %arg12[%get3A_88, %get3A_89] {strides = array<i32>} : memref<128x128xf32, #tpu.memory_space<vmem>>, vector<16xf32>,
        %add3A_91 = arith.constant 16 : i32
        %add3A_92 = arith.addi %squeeze3A_79, %add3A_91 : i32
        %get3A_93 = arith.index_cast %add3A_77 : i32 to index
        %get3A_94 = arith.index_cast %add3A_92 : i32 to index
        %get3A_95 = tpu.vector_load %arg12[%get3A_93, %get3A_94] {strides = array<i32>} : memref<128x128xf32, #tpu.memory_space<vmem>>, vector<16xf32>,
        %mul3A_96 = arith.mulf %get3A_82, %get3A_90 : vector<16xf32>
        %mul3A_97 = arith.mulf %get3A_87, %get3A_95 : vector<16xf32>
        %add3A_98 = arith.addf %mul3A_96, %mul3A_97 : vector<16xf32>
        %add3A_99 = vector.broadcast %add3A_77 : i32 to vector<16xi32>
        %add3A_100 = arith.addi %mul3A_10, %add3A_99 : vector<16xi32>
        tpu.vector_store_idx %arg13[%add3A_100], %add3A_98 : memref<2048xf32, #tpu.memory_space<vmem>>[vector<16xi32>], vector<16xf32>,
        %mul3A_101 = arith.constant 16 : i32
        %mul3A_102 = arith.muli %scan3A_50, %mul3A_101 : i32
        %add3A_103 = arith.constant 1 : i32
        %add3A_104 = arith.addi %mul3A_102, %add3A_103 : i32
        %slice3A_105 = vector.extract_strided_slice %shift_left3A_67 {offsets = [1], sizes = [1], strides = [1]} : vector<16xi32> to vector<1xi32>
        %squeeze3A_106 = vector.extract %slice3A_105[0] : i32 from vector<1xi32>
        %slice3A_107 = vector.extract_strided_slice %shift_left3A_73 {offsets = [1], sizes = [1], strides = [1]} : vector<16xi32> to vector<1xi32>
        %squeeze3A_108 = vector.extract %slice3A_107[0] : i32 from vector<1xi32>
        %get3A_109 = arith.index_cast %add3A_104 : i32 to index
        %get3A_110 = arith.index_cast %squeeze3A_106 : i32 to index
        %get3A_111 = tpu.vector_load %arg11[%get3A_109, %get3A_110] {strides = array<i32>} : memref<128x128xf32, #tpu.memory_space<vmem>>, vector<16xf32>,
        %add3A_112 = arith.constant 16 : i32
        %add3A_113 = arith.addi %squeeze3A_106, %add3A_112 : i32
        %get3A_114 = arith.index_cast %add3A_104 : i32 to index
        %get3A_115 = arith.index_cast %add3A_113 : i32 to index
        %get3A_116 = tpu.vector_load %arg11[%get3A_114, %get3A_115] {strides = array<i32>} : memref<128x128xf32, #tpu.memory_space<vmem>>, vector<16xf32>,
        %get3A_117 = arith.index_cast %add3A_104 : i32 to index
        %get3A_118 = arith.index_cast %squeeze3A_108 : i32 to index
        %get3A_119 = tpu.vector_load %arg12[%get3A_117, %get3A_118] {strides = array<i32>} : memref<128x128xf32, #tpu.memory_space<vmem>>, vector<16xf32>,
        %add3A_120 = arith.constant 16 : i32
        %add3A_121 = arith.addi %squeeze3A_108, %add3A_120 : i32
        %get3A_122 = arith.index_cast %add3A_104 : i32 to index
        %get3A_123 = arith.index_cast %add3A_121 : i32 to index
        %get3A_124 = tpu.vector_load %arg12[%get3A_122, %get3A_123] {strides = array<i32>} : memref<128x128xf32, #tpu.memory_space<vmem>>, vector<16xf32>,
        %mul3A_125 = arith.mulf %get3A_111, %get3A_119 : vector<16xf32>
        %mul3A_126 = arith.mulf %get3A_116, %get3A_124 : vector<16xf32>
        %add3A_127 = arith.addf %mul3A_125, %mul3A_126 : vector<16xf32>
        %add3A_128 = vector.broadcast %add3A_104 : i32 to vector<16xi32>
        %add3A_129 = arith.addi %mul3A_10, %add3A_128 : vector<16xi32>
        tpu.vector_store_idx %arg13[%add3A_129], %add3A_127 : memref<2048xf32, #tpu.memory_space<vmem>>[vector<16xi32>], vector<16xf32>,
        %mul3A_130 = arith.constant 16 : i32
        %mul3A_131 = arith.muli %scan3A_50, %mul3A_130 : i32
        %add3A_132 = arith.constant 2 : i32
        %add3A_133 = arith.addi %mul3A_131, %add3A_132 : i32
        %slice3A_134 = vector.extract_strided_slice %shift_left3A_67 {offsets = [2], sizes = [1], strides = [1]} : vector<16xi32> to vector<1xi32>
        %squeeze3A_135 = vector.extract %slice3A_134[0] : i32 from vector<1xi32>
        %slice3A_136 = vector.extract_strided_slice %shift_left3A_73 {offsets = [2], sizes = [1], strides = [1]} : vector<16xi32> to vector<1xi32>
        %squeeze3A_137 = vector.extract %slice3A_136[0] : i32 from vector<1xi32>
        %get3A_138 = arith.index_cast %add3A_133 : i32 to index
        %get3A_139 = arith.index_cast %squeeze3A_135 : i32 to index
        %get3A_140 = tpu.vector_load %arg11[%get3A_138, %get3A_139] {strides = array<i32>} : memref<128x128xf32, #tpu.memory_space<vmem>>, vector<16xf32>,
        %add3A_141 = arith.constant 16 : i32
        %add3A_142 = arith.addi %squeeze3A_135, %add3A_141 : i32
        %get3A_143 = arith.index_cast %add3A_133 : i32 to index
        %get3A_144 = arith.index_cast %add3A_142 : i32 to index
        %get3A_145 = tpu.vector_load %arg11[%get3A_143, %get3A_144] {strides = array<i32>} : memref<128x128xf32, #tpu.memory_space<vmem>>, vector<16xf32>,
        %get3A_146 = arith.index_cast %add3A_133 : i32 to index
        %get3A_147 = arith.index_cast %squeeze3A_137 : i32 to index
        %get3A_148 = tpu.vector_load %arg12[%get3A_146, %get3A_147] {strides = array<i32>} : memref<128x128xf32, #tpu.memory_space<vmem>>, vector<16xf32>,
        %add3A_149 = arith.constant 16 : i32
        %add3A_150 = arith.addi %squeeze3A_137, %add3A_149 : i32
        %get3A_151 = arith.index_cast %add3A_133 : i32 to index
        %get3A_152 = arith.index_cast %add3A_150 : i32 to index
        %get3A_153 = tpu.vector_load %arg12[%get3A_151, %get3A_152] {strides = array<i32>} : memref<128x128xf32, #tpu.memory_space<vmem>>, vector<16xf32>,
        %mul3A_154 = arith.mulf %get3A_140, %get3A_148 : vector<16xf32>
        %mul3A_155 = arith.mulf %get3A_145, %get3A_153 : vector<16xf32>
        %add3A_156 = arith.addf %mul3A_154, %mul3A_155 : vector<16xf32>
        %add3A_157 = vector.broadcast %add3A_133 : i32 to vector<16xi32>
        %add3A_158 = arith.addi %mul3A_10, %add3A_157 : vector<16xi32>
        tpu.vector_store_idx %arg13[%add3A_158], %add3A_156 : memref<2048xf32, #tpu.memory_space<vmem>>[vector<16xi32>], vector<16xf32>,
        %mul3A_159 = arith.constant 16 : i32
        %mul3A_160 = arith.muli %scan3A_50, %mul3A_159 : i32
        %add3A_161 = arith.constant 3 : i32
        %add3A_162 = arith.addi %mul3A_160, %add3A_161 : i32
        %slice3A_163 = vector.extract_strided_slice %shift_left3A_67 {offsets = [3], sizes = [1], strides = [1]} : vector<16xi32> to vector<1xi32>
        %squeeze3A_164 = vector.extract %slice3A_163[0] : i32 from vector<1xi32>
        %slice3A_165 = vector.extract_strided_slice %shift_left3A_73 {offsets = [3], sizes = [1], strides = [1]} : vector<16xi32> to vector<1xi32>
        %squeeze3A_166 = vector.extract %slice3A_165[0] : i32 from vector<1xi32>
        %get3A_167 = arith.index_cast %add3A_162 : i32 to index
        %get3A_168 = arith.index_cast %squeeze3A_164 : i32 to index
        %get3A_169 = tpu.vector_load %arg11[%get3A_167, %get3A_168] {strides = array<i32>} : memref<128x128xf32, #tpu.memory_space<vmem>>, vector<16xf32>,
        %add3A_170 = arith.constant 16 : i32
        %add3A_171 = arith.addi %squeeze3A_164, %add3A_170 : i32
        %get3A_172 = arith.index_cast %add3A_162 : i32 to index
        %get3A_173 = arith.index_cast %add3A_171 : i32 to index
        %get3A_174 = tpu.vector_load %arg11[%get3A_172, %get3A_173] {strides = array<i32>} : memref<128x128xf32, #tpu.memory_space<vmem>>, vector<16xf32>,
        %get3A_175 = arith.index_cast %add3A_162 : i32 to index
        %get3A_176 = arith.index_cast %squeeze3A_166 : i32 to index
        %get3A_177 = tpu.vector_load %arg12[%get3A_175, %get3A_176] {strides = array<i32>} : memref<128x128xf32, #tpu.memory_space<vmem>>, vector<16xf32>,
        %add3A_178 = arith.constant 16 : i32
        %add3A_179 = arith.addi %squeeze3A_166, %add3A_178 : i32
        %get3A_180 = arith.index_cast %add3A_162 : i32 to index
        %get3A_181 = arith.index_cast %add3A_179 : i32 to index
        %get3A_182 = tpu.vector_load %arg12[%get3A_180, %get3A_181] {strides = array<i32>} : memref<128x128xf32, #tpu.memory_space<vmem>>, vector<16xf32>,
        %mul3A_183 = arith.mulf %get3A_169, %get3A_177 : vector<16xf32>
        %mul3A_184 = arith.mulf %get3A_174, %get3A_182 : vector<16xf32>
        %add3A_185 = arith.addf %mul3A_183, %mul3A_184 : vector<16xf32>
        %add3A_186 = vector.broadcast %add3A_162 : i32 to vector<16xi32>
        %add3A_187 = arith.addi %mul3A_10, %add3A_186 : vector<16xi32>
        tpu.vector_store_idx %arg13[%add3A_187], %add3A_185 : memref<2048xf32, #tpu.memory_space<vmem>>[vector<16xi32>], vector<16xf32>,
        %mul3A_188 = arith.constant 16 : i32
        %mul3A_189 = arith.muli %scan3A_50, %mul3A_188 : i32
        %add3A_190 = arith.constant 4 : i32
        %add3A_191 = arith.addi %mul3A_189, %add3A_190 : i32
        %slice3A_192 = vector.extract_strided_slice %shift_left3A_67 {offsets = [4], sizes = [1], strides = [1]} : vector<16xi32> to vector<1xi32>
        %squeeze3A_193 = vector.extract %slice3A_192[0] : i32 from vector<1xi32>
        %slice3A_194 = vector.extract_strided_slice %shift_left3A_73 {offsets = [4], sizes = [1], strides = [1]} : vector<16xi32> to vector<1xi32>
        %squeeze3A_195 = vector.extract %slice3A_194[0] : i32 from vector<1xi32>
        %get3A_196 = arith.index_cast %add3A_191 : i32 to index
        %get3A_197 = arith.index_cast %squeeze3A_193 : i32 to index
        %get3A_198 = tpu.vector_load %arg11[%get3A_196, %get3A_197] {strides = array<i32>} : memref<128x128xf32, #tpu.memory_space<vmem>>, vector<16xf32>,
        %add3A_199 = arith.constant 16 : i32
        %add3A_200 = arith.addi %squeeze3A_193, %add3A_199 : i32
        %get3A_201 = arith.index_cast %add3A_191 : i32 to index
        %get3A_202 = arith.index_cast %add3A_200 : i32 to index
        %get3A_203 = tpu.vector_load %arg11[%get3A_201, %get3A_202] {strides = array<i32>} : memref<128x128xf32, #tpu.memory_space<vmem>>, vector<16xf32>,
        %get3A_204 = arith.index_cast %add3A_191 : i32 to index
        %get3A_205 = arith.index_cast %squeeze3A_195 : i32 to index
        %get3A_206 = tpu.vector_load %arg12[%get3A_204, %get3A_205] {strides = array<i32>} : memref<128x128xf32, #tpu.memory_space<vmem>>, vector<16xf32>,
        %add3A_207 = arith.constant 16 : i32
        %add3A_208 = arith.addi %squeeze3A_195, %add3A_207 : i32
        %get3A_209 = arith.index_cast %add3A_191 : i32 to index
        %get3A_210 = arith.index_cast %add3A_208 : i32 to index
        %get3A_211 = tpu.vector_load %arg12[%get3A_209, %get3A_210] {strides = array<i32>} : memref<128x128xf32, #tpu.memory_space<vmem>>, vector<16xf32>,
        %mul3A_212 = arith.mulf %get3A_198, %get3A_206 : vector<16xf32>
        %mul3A_213 = arith.mulf %get3A_203, %get3A_211 : vector<16xf32>
        %add3A_214 = arith.addf %mul3A_212, %mul3A_213 : vector<16xf32>
        %add3A_215 = vector.broadcast %add3A_191 : i32 to vector<16xi32>
        %add3A_216 = arith.addi %mul3A_10, %add3A_215 : vector<16xi32>
        tpu.vector_store_idx %arg13[%add3A_216], %add3A_214 : memref<2048xf32, #tpu.memory_space<vmem>>[vector<16xi32>], vector<16xf32>,
        %mul3A_217 = arith.constant 16 : i32
        %mul3A_218 = arith.muli %scan3A_50, %mul3A_217 : i32
        %add3A_219 = arith.constant 5 : i32
        %add3A_220 = arith.addi %mul3A_218, %add3A_219 : i32
        %slice3A_221 = vector.extract_strided_slice %shift_left3A_67 {offsets = [5], sizes = [1], strides = [1]} : vector<16xi32> to vector<1xi32>
        %squeeze3A_222 = vector.extract %slice3A_221[0] : i32 from vector<1xi32>
        %slice3A_223 = vector.extract_strided_slice %shift_left3A_73 {offsets = [5], sizes = [1], strides = [1]} : vector<16xi32> to vector<1xi32>
        %squeeze3A_224 = vector.extract %slice3A_223[0] : i32 from vector<1xi32>
        %get3A_225 = arith.index_cast %add3A_220 : i32 to index
        %get3A_226 = arith.index_cast %squeeze3A_222 : i32 to index
        %get3A_227 = tpu.vector_load %arg11[%get3A_225, %get3A_226] {strides = array<i32>} : memref<128x128xf32, #tpu.memory_space<vmem>>, vector<16xf32>,
        %add3A_228 = arith.constant 16 : i32
        %add3A_229 = arith.addi %squeeze3A_222, %add3A_228 : i32
        %get3A_230 = arith.index_cast %add3A_220 : i32 to index
        %get3A_231 = arith.index_cast %add3A_229 : i32 to index
        %get3A_232 = tpu.vector_load %arg11[%get3A_230, %get3A_231] {strides = array<i32>} : memref<128x128xf32, #tpu.memory_space<vmem>>, vector<16xf32>,
        %get3A_233 = arith.index_cast %add3A_220 : i32 to index
        %get3A_234 = arith.index_cast %squeeze3A_224 : i32 to index
        %get3A_235 = tpu.vector_load %arg12[%get3A_233, %get3A_234] {strides = array<i32>} : memref<128x128xf32, #tpu.memory_space<vmem>>, vector<16xf32>,
        %add3A_236 = arith.constant 16 : i32
        %add3A_237 = arith.addi %squeeze3A_224, %add3A_236 : i32
        %get3A_238 = arith.index_cast %add3A_220 : i32 to index
        %get3A_239 = arith.index_cast %add3A_237 : i32 to index
        %get3A_240 = tpu.vector_load %arg12[%get3A_238, %get3A_239] {strides = array<i32>} : memref<128x128xf32, #tpu.memory_space<vmem>>, vector<16xf32>,
        %mul3A_241 = arith.mulf %get3A_227, %get3A_235 : vector<16xf32>
        %mul3A_242 = arith.mulf %get3A_232, %get3A_240 : vector<16xf32>
        %add3A_243 = arith.addf %mul3A_241, %mul3A_242 : vector<16xf32>
        %add3A_244 = vector.broadcast %add3A_220 : i32 to vector<16xi32>
        %add3A_245 = arith.addi %mul3A_10, %add3A_244 : vector<16xi32>
        tpu.vector_store_idx %arg13[%add3A_245], %add3A_243 : memref<2048xf32, #tpu.memory_space<vmem>>[vector<16xi32>], vector<16xf32>,
        %mul3A_246 = arith.constant 16 : i32
        %mul3A_247 = arith.muli %scan3A_50, %mul3A_246 : i32
        %add3A_248 = arith.constant 6 : i32
        %add3A_249 = arith.addi %mul3A_247, %add3A_248 : i32
        %slice3A_250 = vector.extract_strided_slice %shift_left3A_67 {offsets = [6], sizes = [1], strides = [1]} : vector<16xi32> to vector<1xi32>
        %squeeze3A_251 = vector.extract %slice3A_250[0] : i32 from vector<1xi32>
        %slice3A_252 = vector.extract_strided_slice %shift_left3A_73 {offsets = [6], sizes = [1], strides = [1]} : vector<16xi32> to vector<1xi32>
        %squeeze3A_253 = vector.extract %slice3A_252[0] : i32 from vector<1xi32>
        %get3A_254 = arith.index_cast %add3A_249 : i32 to index
        %get3A_255 = arith.index_cast %squeeze3A_251 : i32 to index
        %get3A_256 = tpu.vector_load %arg11[%get3A_254, %get3A_255] {strides = array<i32>} : memref<128x128xf32, #tpu.memory_space<vmem>>, vector<16xf32>,
        %add3A_257 = arith.constant 16 : i32
        %add3A_258 = arith.addi %squeeze3A_251, %add3A_257 : i32
        %get3A_259 = arith.index_cast %add3A_249 : i32 to index
        %get3A_260 = arith.index_cast %add3A_258 : i32 to index
        %get3A_261 = tpu.vector_load %arg11[%get3A_259, %get3A_260] {strides = array<i32>} : memref<128x128xf32, #tpu.memory_space<vmem>>, vector<16xf32>,
        %get3A_262 = arith.index_cast %add3A_249 : i32 to index
        %get3A_263 = arith.index_cast %squeeze3A_253 : i32 to index
        %get3A_264 = tpu.vector_load %arg12[%get3A_262, %get3A_263] {strides = array<i32>} : memref<128x128xf32, #tpu.memory_space<vmem>>, vector<16xf32>,
        %add3A_265 = arith.constant 16 : i32
        %add3A_266 = arith.addi %squeeze3A_253, %add3A_265 : i32
        %get3A_267 = arith.index_cast %add3A_249 : i32 to index
        %get3A_268 = arith.index_cast %add3A_266 : i32 to index
        %get3A_269 = tpu.vector_load %arg12[%get3A_267, %get3A_268] {strides = array<i32>} : memref<128x128xf32, #tpu.memory_space<vmem>>, vector<16xf32>,
        %mul3A_270 = arith.mulf %get3A_256, %get3A_264 : vector<16xf32>
        %mul3A_271 = arith.mulf %get3A_261, %get3A_269 : vector<16xf32>
        %add3A_272 = arith.addf %mul3A_270, %mul3A_271 : vector<16xf32>
        %add3A_273 = vector.broadcast %add3A_249 : i32 to vector<16xi32>
        %add3A_274 = arith.addi %mul3A_10, %add3A_273 : vector<16xi32>
        tpu.vector_store_idx %arg13[%add3A_274], %add3A_272 : memref<2048xf32, #tpu.memory_space<vmem>>[vector<16xi32>], vector<16xf32>,
        %mul3A_275 = arith.constant 16 : i32
        %mul3A_276 = arith.muli %scan3A_50, %mul3A_275 : i32
        %add3A_277 = arith.constant 7 : i32
        %add3A_278 = arith.addi %mul3A_276, %add3A_277 : i32
        %slice3A_279 = vector.extract_strided_slice %shift_left3A_67 {offsets = [7], sizes = [1], strides = [1]} : vector<16xi32> to vector<1xi32>
        %squeeze3A_280 = vector.extract %slice3A_279[0] : i32 from vector<1xi32>
        %slice3A_281 = vector.extract_strided_slice %shift_left3A_73 {offsets = [7], sizes = [1], strides = [1]} : vector<16xi32> to vector<1xi32>
        %squeeze3A_282 = vector.extract %slice3A_281[0] : i32 from vector<1xi32>
        %get3A_283 = arith.index_cast %add3A_278 : i32 to index
        %get3A_284 = arith.index_cast %squeeze3A_280 : i32 to index
        %get3A_285 = tpu.vector_load %arg11[%get3A_283, %get3A_284] {strides = array<i32>} : memref<128x128xf32, #tpu.memory_space<vmem>>, vector<16xf32>,
        %add3A_286 = arith.constant 16 : i32
        %add3A_287 = arith.addi %squeeze3A_280, %add3A_286 : i32
        %get3A_288 = arith.index_cast %add3A_278 : i32 to index
        %get3A_289 = arith.index_cast %add3A_287 : i32 to index
        %get3A_290 = tpu.vector_load %arg11[%get3A_288, %get3A_289] {strides = array<i32>} : memref<128x128xf32, #tpu.memory_space<vmem>>, vector<16xf32>,
        %get3A_291 = arith.index_cast %add3A_278 : i32 to index
        %get3A_292 = arith.index_cast %squeeze3A_282 : i32 to index
        %get3A_293 = tpu.vector_load %arg12[%get3A_291, %get3A_292] {strides = array<i32>} : memref<128x128xf32, #tpu.memory_space<vmem>>, vector<16xf32>,
        %add3A_294 = arith.constant 16 : i32
        %add3A_295 = arith.addi %squeeze3A_282, %add3A_294 : i32
        %get3A_296 = arith.index_cast %add3A_278 : i32 to index
        %get3A_297 = arith.index_cast %add3A_295 : i32 to index
        %get3A_298 = tpu.vector_load %arg12[%get3A_296, %get3A_297] {strides = array<i32>} : memref<128x128xf32, #tpu.memory_space<vmem>>, vector<16xf32>,
        %mul3A_299 = arith.mulf %get3A_285, %get3A_293 : vector<16xf32>
        %mul3A_300 = arith.mulf %get3A_290, %get3A_298 : vector<16xf32>
        %add3A_301 = arith.addf %mul3A_299, %mul3A_300 : vector<16xf32>
        %add3A_302 = vector.broadcast %add3A_278 : i32 to vector<16xi32>
        %add3A_303 = arith.addi %mul3A_10, %add3A_302 : vector<16xi32>
        tpu.vector_store_idx %arg13[%add3A_303], %add3A_301 : memref<2048xf32, #tpu.memory_space<vmem>>[vector<16xi32>], vector<16xf32>,
        %mul3A_304 = arith.constant 16 : i32
        %mul3A_305 = arith.muli %scan3A_50, %mul3A_304 : i32
        %add3A_306 = arith.constant 8 : i32
        %add3A_307 = arith.addi %mul3A_305, %add3A_306 : i32
        %slice3A_308 = vector.extract_strided_slice %shift_left3A_67 {offsets = [8], sizes = [1], strides = [1]} : vector<16xi32> to vector<1xi32>
        %squeeze3A_309 = vector.extract %slice3A_308[0] : i32 from vector<1xi32>
        %slice3A_310 = vector.extract_strided_slice %shift_left3A_73 {offsets = [8], sizes = [1], strides = [1]} : vector<16xi32> to vector<1xi32>
        %squeeze3A_311 = vector.extract %slice3A_310[0] : i32 from vector<1xi32>
        %get3A_312 = arith.index_cast %add3A_307 : i32 to index
        %get3A_313 = arith.index_cast %squeeze3A_309 : i32 to index
        %get3A_314 = tpu.vector_load %arg11[%get3A_312, %get3A_313] {strides = array<i32>} : memref<128x128xf32, #tpu.memory_space<vmem>>, vector<16xf32>,
        %add3A_315 = arith.constant 16 : i32
        %add3A_316 = arith.addi %squeeze3A_309, %add3A_315 : i32
        %get3A_317 = arith.index_cast %add3A_307 : i32 to index
        %get3A_318 = arith.index_cast %add3A_316 : i32 to index
        %get3A_319 = tpu.vector_load %arg11[%get3A_317, %get3A_318] {strides = array<i32>} : memref<128x128xf32, #tpu.memory_space<vmem>>, vector<16xf32>,
        %get3A_320 = arith.index_cast %add3A_307 : i32 to index
        %get3A_321 = arith.index_cast %squeeze3A_311 : i32 to index
        %get3A_322 = tpu.vector_load %arg12[%get3A_320, %get3A_321] {strides = array<i32>} : memref<128x128xf32, #tpu.memory_space<vmem>>, vector<16xf32>,
        %add3A_323 = arith.constant 16 : i32
        %add3A_324 = arith.addi %squeeze3A_311, %add3A_323 : i32
        %get3A_325 = arith.index_cast %add3A_307 : i32 to index
        %get3A_326 = arith.index_cast %add3A_324 : i32 to index
        %get3A_327 = tpu.vector_load %arg12[%get3A_325, %get3A_326] {strides = array<i32>} : memref<128x128xf32, #tpu.memory_space<vmem>>, vector<16xf32>,
        %mul3A_328 = arith.mulf %get3A_314, %get3A_322 : vector<16xf32>
        %mul3A_329 = arith.mulf %get3A_319, %get3A_327 : vector<16xf32>
        %add3A_330 = arith.addf %mul3A_328, %mul3A_329 : vector<16xf32>
        %add3A_331 = vector.broadcast %add3A_307 : i32 to vector<16xi32>
        %add3A_332 = arith.addi %mul3A_10, %add3A_331 : vector<16xi32>
        tpu.vector_store_idx %arg13[%add3A_332], %add3A_330 : memref<2048xf32, #tpu.memory_space<vmem>>[vector<16xi32>], vector<16xf32>,
        %mul3A_333 = arith.constant 16 : i32
        %mul3A_334 = arith.muli %scan3A_50, %mul3A_333 : i32
        %add3A_335 = arith.constant 9 : i32
        %add3A_336 = arith.addi %mul3A_334, %add3A_335 : i32
        %slice3A_337 = vector.extract_strided_slice %shift_left3A_67 {offsets = [9], sizes = [1], strides = [1]} : vector<16xi32> to vector<1xi32>
        %squeeze3A_338 = vector.extract %slice3A_337[0] : i32 from vector<1xi32>
        %slice3A_339 = vector.extract_strided_slice %shift_left3A_73 {offsets = [9], sizes = [1], strides = [1]} : vector<16xi32> to vector<1xi32>
        %squeeze3A_340 = vector.extract %slice3A_339[0] : i32 from vector<1xi32>
        %get3A_341 = arith.index_cast %add3A_336 : i32 to index
        %get3A_342 = arith.index_cast %squeeze3A_338 : i32 to index
        %get3A_343 = tpu.vector_load %arg11[%get3A_341, %get3A_342] {strides = array<i32>} : memref<128x128xf32, #tpu.memory_space<vmem>>, vector<16xf32>,
        %add3A_344 = arith.constant 16 : i32
        %add3A_345 = arith.addi %squeeze3A_338, %add3A_344 : i32
        %get3A_346 = arith.index_cast %add3A_336 : i32 to index
        %get3A_347 = arith.index_cast %add3A_345 : i32 to index
        %get3A_348 = tpu.vector_load %arg11[%get3A_346, %get3A_347] {strides = array<i32>} : memref<128x128xf32, #tpu.memory_space<vmem>>, vector<16xf32>,
        %get3A_349 = arith.index_cast %add3A_336 : i32 to index
        %get3A_350 = arith.index_cast %squeeze3A_340 : i32 to index
        %get3A_351 = tpu.vector_load %arg12[%get3A_349, %get3A_350] {strides = array<i32>} : memref<128x128xf32, #tpu.memory_space<vmem>>, vector<16xf32>,
        %add3A_352 = arith.constant 16 : i32
        %add3A_353 = arith.addi %squeeze3A_340, %add3A_352 : i32
        %get3A_354 = arith.index_cast %add3A_336 : i32 to index
        %get3A_355 = arith.index_cast %add3A_353 : i32 to index
        %get3A_356 = tpu.vector_load %arg12[%get3A_354, %get3A_355] {strides = array<i32>} : memref<128x128xf32, #tpu.memory_space<vmem>>, vector<16xf32>,
        %mul3A_357 = arith.mulf %get3A_343, %get3A_351 : vector<16xf32>
        %mul3A_358 = arith.mulf %get3A_348, %get3A_356 : vector<16xf32>
        %add3A_359 = arith.addf %mul3A_357, %mul3A_358 : vector<16xf32>
        %add3A_360 = vector.broadcast %add3A_336 : i32 to vector<16xi32>
        %add3A_361 = arith.addi %mul3A_10, %add3A_360 : vector<16xi32>
        tpu.vector_store_idx %arg13[%add3A_361], %add3A_359 : memref<2048xf32, #tpu.memory_space<vmem>>[vector<16xi32>], vector<16xf32>,
        %mul3A_362 = arith.constant 16 : i32
        %mul3A_363 = arith.muli %scan3A_50, %mul3A_362 : i32
        %add3A_364 = arith.constant 10 : i32
        %add3A_365 = arith.addi %mul3A_363, %add3A_364 : i32
        %slice3A_366 = vector.extract_strided_slice %shift_left3A_67 {offsets = [10], sizes = [1], strides = [1]} : vector<16xi32> to vector<1xi32>
        %squeeze3A_367 = vector.extract %slice3A_366[0] : i32 from vector<1xi32>
        %slice3A_368 = vector.extract_strided_slice %shift_left3A_73 {offsets = [10], sizes = [1], strides = [1]} : vector<16xi32> to vector<1xi32>
        %squeeze3A_369 = vector.extract %slice3A_368[0] : i32 from vector<1xi32>
        %get3A_370 = arith.index_cast %add3A_365 : i32 to index
        %get3A_371 = arith.index_cast %squeeze3A_367 : i32 to index
        %get3A_372 = tpu.vector_load %arg11[%get3A_370, %get3A_371] {strides = array<i32>} : memref<128x128xf32, #tpu.memory_space<vmem>>, vector<16xf32>,
        %add3A_373 = arith.constant 16 : i32
        %add3A_374 = arith.addi %squeeze3A_367, %add3A_373 : i32
        %get3A_375 = arith.index_cast %add3A_365 : i32 to index
        %get3A_376 = arith.index_cast %add3A_374 : i32 to index
        %get3A_377 = tpu.vector_load %arg11[%get3A_375, %get3A_376] {strides = array<i32>} : memref<128x128xf32, #tpu.memory_space<vmem>>, vector<16xf32>,
        %get3A_378 = arith.index_cast %add3A_365 : i32 to index
        %get3A_379 = arith.index_cast %squeeze3A_369 : i32 to index
        %get3A_380 = tpu.vector_load %arg12[%get3A_378, %get3A_379] {strides = array<i32>} : memref<128x128xf32, #tpu.memory_space<vmem>>, vector<16xf32>,
        %add3A_381 = arith.constant 16 : i32
        %add3A_382 = arith.addi %squeeze3A_369, %add3A_381 : i32
        %get3A_383 = arith.index_cast %add3A_365 : i32 to index
        %get3A_384 = arith.index_cast %add3A_382 : i32 to index
        %get3A_385 = tpu.vector_load %arg12[%get3A_383, %get3A_384] {strides = array<i32>} : memref<128x128xf32, #tpu.memory_space<vmem>>, vector<16xf32>,
        %mul3A_386 = arith.mulf %get3A_372, %get3A_380 : vector<16xf32>
        %mul3A_387 = arith.mulf %get3A_377, %get3A_385 : vector<16xf32>
        %add3A_388 = arith.addf %mul3A_386, %mul3A_387 : vector<16xf32>
        %add3A_389 = vector.broadcast %add3A_365 : i32 to vector<16xi32>
        %add3A_390 = arith.addi %mul3A_10, %add3A_389 : vector<16xi32>
        tpu.vector_store_idx %arg13[%add3A_390], %add3A_388 : memref<2048xf32, #tpu.memory_space<vmem>>[vector<16xi32>], vector<16xf32>,
        %mul3A_391 = arith.constant 16 : i32
        %mul3A_392 = arith.muli %scan3A_50, %mul3A_391 : i32
        %add3A_393 = arith.constant 11 : i32
        %add3A_394 = arith.addi %mul3A_392, %add3A_393 : i32
        %slice3A_395 = vector.extract_strided_slice %shift_left3A_67 {offsets = [11], sizes = [1], strides = [1]} : vector<16xi32> to vector<1xi32>
        %squeeze3A_396 = vector.extract %slice3A_395[0] : i32 from vector<1xi32>
        %slice3A_397 = vector.extract_strided_slice %shift_left3A_73 {offsets = [11], sizes = [1], strides = [1]} : vector<16xi32> to vector<1xi32>
        %squeeze3A_398 = vector.extract %slice3A_397[0] : i32 from vector<1xi32>
        %get3A_399 = arith.index_cast %add3A_394 : i32 to index
        %get3A_400 = arith.index_cast %squeeze3A_396 : i32 to index
        %get3A_401 = tpu.vector_load %arg11[%get3A_399, %get3A_400] {strides = array<i32>} : memref<128x128xf32, #tpu.memory_space<vmem>>, vector<16xf32>,
        %add3A_402 = arith.constant 16 : i32
        %add3A_403 = arith.addi %squeeze3A_396, %add3A_402 : i32
        %get3A_404 = arith.index_cast %add3A_394 : i32 to index
        %get3A_405 = arith.index_cast %add3A_403 : i32 to index
        %get3A_406 = tpu.vector_load %arg11[%get3A_404, %get3A_405] {strides = array<i32>} : memref<128x128xf32, #tpu.memory_space<vmem>>, vector<16xf32>,
        %get3A_407 = arith.index_cast %add3A_394 : i32 to index
        %get3A_408 = arith.index_cast %squeeze3A_398 : i32 to index
        %get3A_409 = tpu.vector_load %arg12[%get3A_407, %get3A_408] {strides = array<i32>} : memref<128x128xf32, #tpu.memory_space<vmem>>, vector<16xf32>,
        %add3A_410 = arith.constant 16 : i32
        %add3A_411 = arith.addi %squeeze3A_398, %add3A_410 : i32
        %get3A_412 = arith.index_cast %add3A_394 : i32 to index
        %get3A_413 = arith.index_cast %add3A_411 : i32 to index
        %get3A_414 = tpu.vector_load %arg12[%get3A_412, %get3A_413] {strides = array<i32>} : memref<128x128xf32, #tpu.memory_space<vmem>>, vector<16xf32>,
        %mul3A_415 = arith.mulf %get3A_401, %get3A_409 : vector<16xf32>
        %mul3A_416 = arith.mulf %get3A_406, %get3A_414 : vector<16xf32>
        %add3A_417 = arith.addf %mul3A_415, %mul3A_416 : vector<16xf32>
        %add3A_418 = vector.broadcast %add3A_394 : i32 to vector<16xi32>
        %add3A_419 = arith.addi %mul3A_10, %add3A_418 : vector<16xi32>
        tpu.vector_store_idx %arg13[%add3A_419], %add3A_417 : memref<2048xf32, #tpu.memory_space<vmem>>[vector<16xi32>], vector<16xf32>,
        %mul3A_420 = arith.constant 16 : i32
        %mul3A_421 = arith.muli %scan3A_50, %mul3A_420 : i32
        %add3A_422 = arith.constant 12 : i32
        %add3A_423 = arith.addi %mul3A_421, %add3A_422 : i32
        %slice3A_424 = vector.extract_strided_slice %shift_left3A_67 {offsets = [12], sizes = [1], strides = [1]} : vector<16xi32> to vector<1xi32>
        %squeeze3A_425 = vector.extract %slice3A_424[0] : i32 from vector<1xi32>
        %slice3A_426 = vector.extract_strided_slice %shift_left3A_73 {offsets = [12], sizes = [1], strides = [1]} : vector<16xi32> to vector<1xi32>
        %squeeze3A_427 = vector.extract %slice3A_426[0] : i32 from vector<1xi32>
        %get3A_428 = arith.index_cast %add3A_423 : i32 to index
        %get3A_429 = arith.index_cast %squeeze3A_425 : i32 to index
        %get3A_430 = tpu.vector_load %arg11[%get3A_428, %get3A_429] {strides = array<i32>} : memref<128x128xf32, #tpu.memory_space<vmem>>, vector<16xf32>,
        %add3A_431 = arith.constant 16 : i32
        %add3A_432 = arith.addi %squeeze3A_425, %add3A_431 : i32
        %get3A_433 = arith.index_cast %add3A_423 : i32 to index
        %get3A_434 = arith.index_cast %add3A_432 : i32 to index
        %get3A_435 = tpu.vector_load %arg11[%get3A_433, %get3A_434] {strides = array<i32>} : memref<128x128xf32, #tpu.memory_space<vmem>>, vector<16xf32>,
        %get3A_436 = arith.index_cast %add3A_423 : i32 to index
        %get3A_437 = arith.index_cast %squeeze3A_427 : i32 to index
        %get3A_438 = tpu.vector_load %arg12[%get3A_436, %get3A_437] {strides = array<i32>} : memref<128x128xf32, #tpu.memory_space<vmem>>, vector<16xf32>,
        %add3A_439 = arith.constant 16 : i32
        %add3A_440 = arith.addi %squeeze3A_427, %add3A_439 : i32
        %get3A_441 = arith.index_cast %add3A_423 : i32 to index
        %get3A_442 = arith.index_cast %add3A_440 : i32 to index
        %get3A_443 = tpu.vector_load %arg12[%get3A_441, %get3A_442] {strides = array<i32>} : memref<128x128xf32, #tpu.memory_space<vmem>>, vector<16xf32>,
        %mul3A_444 = arith.mulf %get3A_430, %get3A_438 : vector<16xf32>
        %mul3A_445 = arith.mulf %get3A_435, %get3A_443 : vector<16xf32>
        %add3A_446 = arith.addf %mul3A_444, %mul3A_445 : vector<16xf32>
        %add3A_447 = vector.broadcast %add3A_423 : i32 to vector<16xi32>
        %add3A_448 = arith.addi %mul3A_10, %add3A_447 : vector<16xi32>
        tpu.vector_store_idx %arg13[%add3A_448], %add3A_446 : memref<2048xf32, #tpu.memory_space<vmem>>[vector<16xi32>], vector<16xf32>,
        %mul3A_449 = arith.constant 16 : i32
        %mul3A_450 = arith.muli %scan3A_50, %mul3A_449 : i32
        %add3A_451 = arith.constant 13 : i32
        %add3A_452 = arith.addi %mul3A_450, %add3A_451 : i32
        %slice3A_453 = vector.extract_strided_slice %shift_left3A_67 {offsets = [13], sizes = [1], strides = [1]} : vector<16xi32> to vector<1xi32>
        %squeeze3A_454 = vector.extract %slice3A_453[0] : i32 from vector<1xi32>
        %slice3A_455 = vector.extract_strided_slice %shift_left3A_73 {offsets = [13], sizes = [1], strides = [1]} : vector<16xi32> to vector<1xi32>
        %squeeze3A_456 = vector.extract %slice3A_455[0] : i32 from vector<1xi32>
        %get3A_457 = arith.index_cast %add3A_452 : i32 to index
        %get3A_458 = arith.index_cast %squeeze3A_454 : i32 to index
        %get3A_459 = tpu.vector_load %arg11[%get3A_457, %get3A_458] {strides = array<i32>} : memref<128x128xf32, #tpu.memory_space<vmem>>, vector<16xf32>,
        %add3A_460 = arith.constant 16 : i32
        %add3A_461 = arith.addi %squeeze3A_454, %add3A_460 : i32
        %get3A_462 = arith.index_cast %add3A_452 : i32 to index
        %get3A_463 = arith.index_cast %add3A_461 : i32 to index
        %get3A_464 = tpu.vector_load %arg11[%get3A_462, %get3A_463] {strides = array<i32>} : memref<128x128xf32, #tpu.memory_space<vmem>>, vector<16xf32>,
        %get3A_465 = arith.index_cast %add3A_452 : i32 to index
        %get3A_466 = arith.index_cast %squeeze3A_456 : i32 to index
        %get3A_467 = tpu.vector_load %arg12[%get3A_465, %get3A_466] {strides = array<i32>} : memref<128x128xf32, #tpu.memory_space<vmem>>, vector<16xf32>,
        %add3A_468 = arith.constant 16 : i32
        %add3A_469 = arith.addi %squeeze3A_456, %add3A_468 : i32
        %get3A_470 = arith.index_cast %add3A_452 : i32 to index
        %get3A_471 = arith.index_cast %add3A_469 : i32 to index
        %get3A_472 = tpu.vector_load %arg12[%get3A_470, %get3A_471] {strides = array<i32>} : memref<128x128xf32, #tpu.memory_space<vmem>>, vector<16xf32>,
        %mul3A_473 = arith.mulf %get3A_459, %get3A_467 : vector<16xf32>
        %mul3A_474 = arith.mulf %get3A_464, %get3A_472 : vector<16xf32>
        %add3A_475 = arith.addf %mul3A_473, %mul3A_474 : vector<16xf32>
        %add3A_476 = vector.broadcast %add3A_452 : i32 to vector<16xi32>
        %add3A_477 = arith.addi %mul3A_10, %add3A_476 : vector<16xi32>
        tpu.vector_store_idx %arg13[%add3A_477], %add3A_475 : memref<2048xf32, #tpu.memory_space<vmem>>[vector<16xi32>], vector<16xf32>,
        %mul3A_478 = arith.constant 16 : i32
        %mul3A_479 = arith.muli %scan3A_50, %mul3A_478 : i32
        %add3A_480 = arith.constant 14 : i32
        %add3A_481 = arith.addi %mul3A_479, %add3A_480 : i32
        %slice3A_482 = vector.extract_strided_slice %shift_left3A_67 {offsets = [14], sizes = [1], strides = [1]} : vector<16xi32> to vector<1xi32>
        %squeeze3A_483 = vector.extract %slice3A_482[0] : i32 from vector<1xi32>
        %slice3A_484 = vector.extract_strided_slice %shift_left3A_73 {offsets = [14], sizes = [1], strides = [1]} : vector<16xi32> to vector<1xi32>
        %squeeze3A_485 = vector.extract %slice3A_484[0] : i32 from vector<1xi32>
        %get3A_486 = arith.index_cast %add3A_481 : i32 to index
        %get3A_487 = arith.index_cast %squeeze3A_483 : i32 to index
        %get3A_488 = tpu.vector_load %arg11[%get3A_486, %get3A_487] {strides = array<i32>} : memref<128x128xf32, #tpu.memory_space<vmem>>, vector<16xf32>,
        %add3A_489 = arith.constant 16 : i32
        %add3A_490 = arith.addi %squeeze3A_483, %add3A_489 : i32
        %get3A_491 = arith.index_cast %add3A_481 : i32 to index
        %get3A_492 = arith.index_cast %add3A_490 : i32 to index
        %get3A_493 = tpu.vector_load %arg11[%get3A_491, %get3A_492] {strides = array<i32>} : memref<128x128xf32, #tpu.memory_space<vmem>>, vector<16xf32>,
        %get3A_494 = arith.index_cast %add3A_481 : i32 to index
        %get3A_495 = arith.index_cast %squeeze3A_485 : i32 to index
        %get3A_496 = tpu.vector_load %arg12[%get3A_494, %get3A_495] {strides = array<i32>} : memref<128x128xf32, #tpu.memory_space<vmem>>, vector<16xf32>,
        %add3A_497 = arith.constant 16 : i32
        %add3A_498 = arith.addi %squeeze3A_485, %add3A_497 : i32
        %get3A_499 = arith.index_cast %add3A_481 : i32 to index
        %get3A_500 = arith.index_cast %add3A_498 : i32 to index
        %get3A_501 = tpu.vector_load %arg12[%get3A_499, %get3A_500] {strides = array<i32>} : memref<128x128xf32, #tpu.memory_space<vmem>>, vector<16xf32>,
        %mul3A_502 = arith.mulf %get3A_488, %get3A_496 : vector<16xf32>
        %mul3A_503 = arith.mulf %get3A_493, %get3A_501 : vector<16xf32>
        %add3A_504 = arith.addf %mul3A_502, %mul3A_503 : vector<16xf32>
        %add3A_505 = vector.broadcast %add3A_481 : i32 to vector<16xi32>
        %add3A_506 = arith.addi %mul3A_10, %add3A_505 : vector<16xi32>
        tpu.vector_store_idx %arg13[%add3A_506], %add3A_504 : memref<2048xf32, #tpu.memory_space<vmem>>[vector<16xi32>], vector<16xf32>,
        %mul3A_507 = arith.constant 16 : i32
        %mul3A_508 = arith.muli %scan3A_50, %mul3A_507 : i32
        %add3A_509 = arith.constant 15 : i32
        %add3A_510 = arith.addi %mul3A_508, %add3A_509 : i32
        %slice3A_511 = vector.extract_strided_slice %shift_left3A_67 {offsets = [15], sizes = [1], strides = [1]} : vector<16xi32> to vector<1xi32>
        %squeeze3A_512 = vector.extract %slice3A_511[0] : i32 from vector<1xi32>
        %slice3A_513 = vector.extract_strided_slice %shift_left3A_73 {offsets = [15], sizes = [1], strides = [1]} : vector<16xi32> to vector<1xi32>
        %squeeze3A_514 = vector.extract %slice3A_513[0] : i32 from vector<1xi32>
        %get3A_515 = arith.index_cast %add3A_510 : i32 to index
        %get3A_516 = arith.index_cast %squeeze3A_512 : i32 to index
        %get3A_517 = tpu.vector_load %arg11[%get3A_515, %get3A_516] {strides = array<i32>} : memref<128x128xf32, #tpu.memory_space<vmem>>, vector<16xf32>,
        %add3A_518 = arith.constant 16 : i32
        %add3A_519 = arith.addi %squeeze3A_512, %add3A_518 : i32
        %get3A_520 = arith.index_cast %add3A_510 : i32 to index
        %get3A_521 = arith.index_cast %add3A_519 : i32 to index
        %get3A_522 = tpu.vector_load %arg11[%get3A_520, %get3A_521] {strides = array<i32>} : memref<128x128xf32, #tpu.memory_space<vmem>>, vector<16xf32>,
        %get3A_523 = arith.index_cast %add3A_510 : i32 to index
        %get3A_524 = arith.index_cast %squeeze3A_514 : i32 to index
        %get3A_525 = tpu.vector_load %arg12[%get3A_523, %get3A_524] {strides = array<i32>} : memref<128x128xf32, #tpu.memory_space<vmem>>, vector<16xf32>,
        %add3A_526 = arith.constant 16 : i32
        %add3A_527 = arith.addi %squeeze3A_514, %add3A_526 : i32
        %get3A_528 = arith.index_cast %add3A_510 : i32 to index
        %get3A_529 = arith.index_cast %add3A_527 : i32 to index
        %get3A_530 = tpu.vector_load %arg12[%get3A_528, %get3A_529] {strides = array<i32>} : memref<128x128xf32, #tpu.memory_space<vmem>>, vector<16xf32>,
        %mul3A_531 = arith.mulf %get3A_517, %get3A_525 : vector<16xf32>
        %mul3A_532 = arith.mulf %get3A_522, %get3A_530 : vector<16xf32>
        %add3A_533 = arith.addf %mul3A_531, %mul3A_532 : vector<16xf32>
        %add3A_534 = vector.broadcast %add3A_510 : i32 to vector<16xi32>
        %add3A_535 = arith.addi %mul3A_10, %add3A_534 : vector<16xi32>
        tpu.vector_store_idx %arg13[%add3A_535], %add3A_533 : memref<2048xf32, #tpu.memory_space<vmem>>[vector<16xi32>], vector<16xf32>,
      }
      %scan3A_43 = arith.constant 8 : i32
      %scan3A_44 = arith.constant 0 : i32
      %scan3A_45 = arith.constant 0 : i32
      %scan3A_46 = arith.constant 8 : i32
      %scan3A_47 = arith.addi %scan3A_45, %scan3A_46 : i32
      %scan3A_48 = arith.constant 1 : i32
      scf.for %scan3A_50 = %scan3A_45 to %scan3A_47 step %scan3A_48  : i32 {
        %broadcast_in_dim3A = arith.constant 0.000000e+00 : f32
        %broadcast_in_dim3A_51 = vector.broadcast %broadcast_in_dim3A : f32 to vector<16xf32>
        %mul3A_52 = arith.constant 16 : i32
        %mul3A_53 = arith.muli %scan3A_50, %mul3A_52 : i32
        %add3A_54 = arith.constant 0 : i32
        %add3A_55 = arith.addi %add3A_54, %mul3A_53 : i32
        %get3A = arith.index_cast %add3A_55 : i32 to index
        %get3A_56 = tpu.vector_load %arg13[%get3A] {strides = array<i32>} : memref<2048xf32, #tpu.memory_space<vmem>>, vector<16xf32>,
        %add3A_57 = arith.addf %broadcast_in_dim3A_51, %get3A_56 : vector<16xf32>
        %mul3A_58 = arith.constant 16 : i32
        %mul3A_59 = arith.muli %scan3A_50, %mul3A_58 : i32
        %add3A_60 = arith.constant 128 : i32
        %add3A_61 = arith.addi %add3A_60, %mul3A_59 : i32
        %get3A_62 = arith.index_cast %add3A_61 : i32 to index
        %get3A_63 = tpu.vector_load %arg13[%get3A_62] {strides = array<i32>} : memref<2048xf32, #tpu.memory_space<vmem>>, vector<16xf32>,
        %add3A_64 = arith.addf %add3A_57, %get3A_63 : vector<16xf32>
        %mul3A_65 = arith.constant 16 : i32
        %mul3A_66 = arith.muli %scan3A_50, %mul3A_65 : i32
        %add3A_67 = arith.constant 256 : i32
        %add3A_68 = arith.addi %add3A_67, %mul3A_66 : i32
        %get3A_69 = arith.index_cast %add3A_68 : i32 to index
        %get3A_70 = tpu.vector_load %arg13[%get3A_69] {strides = array<i32>} : memref<2048xf32, #tpu.memory_space<vmem>>, vector<16xf32>,
        %add3A_71 = arith.addf %add3A_64, %get3A_70 : vector<16xf32>
        %mul3A_72 = arith.constant 16 : i32
        %mul3A_73 = arith.muli %scan3A_50, %mul3A_72 : i32
        %add3A_74 = arith.constant 384 : i32
        %add3A_75 = arith.addi %add3A_74, %mul3A_73 : i32
        %get3A_76 = arith.index_cast %add3A_75 : i32 to index
        %get3A_77 = tpu.vector_load %arg13[%get3A_76] {strides = array<i32>} : memref<2048xf32, #tpu.memory_space<vmem>>, vector<16xf32>,
        %add3A_78 = arith.addf %add3A_71, %get3A_77 : vector<16xf32>
        %mul3A_79 = arith.constant 16 : i32
        %mul3A_80 = arith.muli %scan3A_50, %mul3A_79 : i32
        %add3A_81 = arith.constant 512 : i32
        %add3A_82 = arith.addi %add3A_81, %mul3A_80 : i32
        %get3A_83 = arith.index_cast %add3A_82 : i32 to index
        %get3A_84 = tpu.vector_load %arg13[%get3A_83] {strides = array<i32>} : memref<2048xf32, #tpu.memory_space<vmem>>, vector<16xf32>,
        %add3A_85 = arith.addf %add3A_78, %get3A_84 : vector<16xf32>
        %mul3A_86 = arith.constant 16 : i32
        %mul3A_87 = arith.muli %scan3A_50, %mul3A_86 : i32
        %add3A_88 = arith.constant 640 : i32
        %add3A_89 = arith.addi %add3A_88, %mul3A_87 : i32
        %get3A_90 = arith.index_cast %add3A_89 : i32 to index
        %get3A_91 = tpu.vector_load %arg13[%get3A_90] {strides = array<i32>} : memref<2048xf32, #tpu.memory_space<vmem>>, vector<16xf32>,
        %add3A_92 = arith.addf %add3A_85, %get3A_91 : vector<16xf32>
        %mul3A_93 = arith.constant 16 : i32
        %mul3A_94 = arith.muli %scan3A_50, %mul3A_93 : i32
        %add3A_95 = arith.constant 768 : i32
        %add3A_96 = arith.addi %add3A_95, %mul3A_94 : i32
        %get3A_97 = arith.index_cast %add3A_96 : i32 to index
        %get3A_98 = tpu.vector_load %arg13[%get3A_97] {strides = array<i32>} : memref<2048xf32, #tpu.memory_space<vmem>>, vector<16xf32>,
        %add3A_99 = arith.addf %add3A_92, %get3A_98 : vector<16xf32>
        %mul3A_100 = arith.constant 16 : i32
        %mul3A_101 = arith.muli %scan3A_50, %mul3A_100 : i32
        %add3A_102 = arith.constant 896 : i32
        %add3A_103 = arith.addi %add3A_102, %mul3A_101 : i32
        %get3A_104 = arith.index_cast %add3A_103 : i32 to index
        %get3A_105 = tpu.vector_load %arg13[%get3A_104] {strides = array<i32>} : memref<2048xf32, #tpu.memory_space<vmem>>, vector<16xf32>,
        %add3A_106 = arith.addf %add3A_99, %get3A_105 : vector<16xf32>
        %mul3A_107 = arith.constant 16 : i32
        %mul3A_108 = arith.muli %scan3A_50, %mul3A_107 : i32
        %add3A_109 = arith.constant 1024 : i32
        %add3A_110 = arith.addi %add3A_109, %mul3A_108 : i32
        %get3A_111 = arith.index_cast %add3A_110 : i32 to index
        %get3A_112 = tpu.vector_load %arg13[%get3A_111] {strides = array<i32>} : memref<2048xf32, #tpu.memory_space<vmem>>, vector<16xf32>,
        %add3A_113 = arith.addf %add3A_106, %get3A_112 : vector<16xf32>
        %mul3A_114 = arith.constant 16 : i32
        %mul3A_115 = arith.muli %scan3A_50, %mul3A_114 : i32
        %add3A_116 = arith.constant 1152 : i32
        %add3A_117 = arith.addi %add3A_116, %mul3A_115 : i32
        %get3A_118 = arith.index_cast %add3A_117 : i32 to index
        %get3A_119 = tpu.vector_load %arg13[%get3A_118] {strides = array<i32>} : memref<2048xf32, #tpu.memory_space<vmem>>, vector<16xf32>,
        %add3A_120 = arith.addf %add3A_113, %get3A_119 : vector<16xf32>
        %mul3A_121 = arith.constant 16 : i32
        %mul3A_122 = arith.muli %scan3A_50, %mul3A_121 : i32
        %add3A_123 = arith.constant 1280 : i32
        %add3A_124 = arith.addi %add3A_123, %mul3A_122 : i32
        %get3A_125 = arith.index_cast %add3A_124 : i32 to index
        %get3A_126 = tpu.vector_load %arg13[%get3A_125] {strides = array<i32>} : memref<2048xf32, #tpu.memory_space<vmem>>, vector<16xf32>,
        %add3A_127 = arith.addf %add3A_120, %get3A_126 : vector<16xf32>
        %mul3A_128 = arith.constant 16 : i32
        %mul3A_129 = arith.muli %scan3A_50, %mul3A_128 : i32
        %add3A_130 = arith.constant 1408 : i32
        %add3A_131 = arith.addi %add3A_130, %mul3A_129 : i32
        %get3A_132 = arith.index_cast %add3A_131 : i32 to index
        %get3A_133 = tpu.vector_load %arg13[%get3A_132] {strides = array<i32>} : memref<2048xf32, #tpu.memory_space<vmem>>, vector<16xf32>,
        %add3A_134 = arith.addf %add3A_127, %get3A_133 : vector<16xf32>
        %mul3A_135 = arith.constant 16 : i32
        %mul3A_136 = arith.muli %scan3A_50, %mul3A_135 : i32
        %add3A_137 = arith.constant 1536 : i32
        %add3A_138 = arith.addi %add3A_137, %mul3A_136 : i32
        %get3A_139 = arith.index_cast %add3A_138 : i32 to index
        %get3A_140 = tpu.vector_load %arg13[%get3A_139] {strides = array<i32>} : memref<2048xf32, #tpu.memory_space<vmem>>, vector<16xf32>,
        %add3A_141 = arith.addf %add3A_134, %get3A_140 : vector<16xf32>
        %mul3A_142 = arith.constant 16 : i32
        %mul3A_143 = arith.muli %scan3A_50, %mul3A_142 : i32
        %add3A_144 = arith.constant 1664 : i32
        %add3A_145 = arith.addi %add3A_144, %mul3A_143 : i32
        %get3A_146 = arith.index_cast %add3A_145 : i32 to index
        %get3A_147 = tpu.vector_load %arg13[%get3A_146] {strides = array<i32>} : memref<2048xf32, #tpu.memory_space<vmem>>, vector<16xf32>,
        %add3A_148 = arith.addf %add3A_141, %get3A_147 : vector<16xf32>
        %mul3A_149 = arith.constant 16 : i32
        %mul3A_150 = arith.muli %scan3A_50, %mul3A_149 : i32
        %add3A_151 = arith.constant 1792 : i32
        %add3A_152 = arith.addi %add3A_151, %mul3A_150 : i32
        %get3A_153 = arith.index_cast %add3A_152 : i32 to index
        %get3A_154 = tpu.vector_load %arg13[%get3A_153] {strides = array<i32>} : memref<2048xf32, #tpu.memory_space<vmem>>, vector<16xf32>,
        %add3A_155 = arith.addf %add3A_148, %get3A_154 : vector<16xf32>
        %mul3A_156 = arith.constant 16 : i32
        %mul3A_157 = arith.muli %scan3A_50, %mul3A_156 : i32
        %add3A_158 = arith.constant 1920 : i32
        %add3A_159 = arith.addi %add3A_158, %mul3A_157 : i32
        %get3A_160 = arith.index_cast %add3A_159 : i32 to index
        %get3A_161 = tpu.vector_load %arg13[%get3A_160] {strides = array<i32>} : memref<2048xf32, #tpu.memory_space<vmem>>, vector<16xf32>,
        %add3A_162 = arith.addf %add3A_155, %get3A_161 : vector<16xf32>
        %mul3A_163 = arith.constant 128 : i32
        %mul3A_164 = arith.muli %scan3A_17, %mul3A_163 : i32
        %mul3A_165 = arith.constant 16 : i32
        %mul3A_166 = arith.muli %scan3A_50, %mul3A_165 : i32
        %add3A_167 = arith.addi %mul3A_164, %mul3A_166 : i32
        %swap3A = arith.index_cast %add3A_167 : i32 to index
        %swap3A_168 = tpu.vector_load %arg14[%swap3A] {strides = array<i32>} : memref<512xf32, #tpu.memory_space<vmem>>, vector<16xf32>,
        tpu.vector_store %arg14[%swap3A], %add3A_162 {strides = array<i32>} : memref<512xf32, #tpu.memory_space<vmem>>, vector<16xf32>,
      }
      %scan3A_49 = arith.constant 8 : i32
    }
    %scan3A_16 = arith.constant 4 : i32
    "tpu.region"() ({
      %run_scoped3A = tpu.sem_alloc : memref<!tpu.dma_semaphore, #tpu.memory_space<semaphore_mem>>
      %dma_start3A = tpu.memref_slice %arg6[%mul3A_2] : memref<16384xf32, #tpu.memory_space<hbm>> -> memref<512xf32, #tpu.memory_space<hbm>>
      %dma_start3A_17 = tpu.memref_slice %arg6[%mul3A_2] : memref<16384xf32, #tpu.memory_space<hbm>> -> memref<512xf32, #tpu.memory_space<hbm>>
      tpu.enqueue_dma source(%arg14 : memref<512xf32, #tpu.memory_space<vmem>>) target(%dma_start3A_17 : memref<512xf32, #tpu.memory_space<hbm>>) target_semaphore(%run_scoped3A : memref<!tpu.dma_semaphore, #tpu.memory_space<semaphore_mem>>)
      %dma_wait3A = tpu.memref_slice %arg6[%mul3A_2] : memref<16384xf32, #tpu.memory_space<hbm>> -> memref<512xf32, #tpu.memory_space<hbm>>
      %dma_wait3A_18 = tpu.memref_slice %arg6[%mul3A_2] : memref<16384xf32, #tpu.memory_space<hbm>> -> memref<512xf32, #tpu.memory_space<hbm>>
      tpu.wait_dma2 semaphore(%run_scoped3A : memref<!tpu.dma_semaphore, #tpu.memory_space<semaphore_mem>>) src(%arg14 : memref<512xf32, #tpu.memory_space<vmem>>) dst(%dma_wait3A_18 : memref<512xf32, #tpu.memory_space<hbm>>)
      tpu.yield
    }) : () -> ()
    return
  }
}

</mosaic_0001>

<sc_bundles>
// kernel: kernel.3.cloned.1.call-start
scs
__scs_entry_jumppad:
0x0: {  	(pc) =	sbr.rel $0x88, $3  }
0x1: {  	(tag) =	ssettag $0x0;
	lr =	simm.s32 $0x1  }
0x2: {  	[smem:$0x3F9D] =	sst lr;
	_ =	strace $0xD0000000  }
0x3: {  	_ = 	snop  }
0x4: {  	_ = 	snop  }
0x5: {  	_ = 	snop  }
0x6: {  	_ = 	snop  }
0x7: {  	_ = 	snop  }
__scs_overlays_trampoline_lowered:
0x8: {  	[smem:$0x3FAC] =	sst s0  }
0x9: {  	[smem:$0x3FAD] =	sst s1  }
0xa: {  	[smem:$0x3FAE] =	sst s2  }
0xb: {  	[smem:$0x3FAF] =	sst s3  }
0xc: {  	[smem:$0x3FB0] =	sst s4  }
0xd: {  	[smem:$0x3FB1] =	sst s5  }
0xe: {  	[smem:$0x3FB2] =	sst s6  }
0xf: {  	[smem:$0x3FB3] =	sst s7  }
0x10: {  	[smem:$0x3FB4] =	sst s8  }
0x11: {  	[smem:$0x3FB5] =	sst s9;
	s0 =	simm.s32 @!p0 $0x0  }
0x12: {  	s1 =	sld [smem:$0x3F9B];
	s0 =	simm.s32 @p0 $0x1  }
0x13: {  	[smem:$0x3FB6] =	sst s0;
	s0 =	simm.s32 @!p1 $0x0  }
0x14: {  	s2 =	sld [smem:$0x3F9A];
	s0 =	simm.s32 @p1 $0x1  }
0x15: {  	[smem:$0x3FB7] =	sst s0;
	s0 =	simm.s32 @!p2 $0x0  }
0x16: {  	s3 =	sld [smem:$0x3FDB];
	s0 =	simm.s32 @p2 $0x1  }
0x17: {  	s4 =	simm.s32 $0x1BF5;
	[smem:$0x3FB9] =	sst s0  }
0x18: {  	s0 =	sld [smem:$0x3F9C];
	_ =	swait.ge [sflag:s4], $0x0  }
0x19: {  	s7 =	sld [smem:$0x3F9D]  }
0x1a: {  	s8 =	sadd.s32 $0xFFFFE003, lr  }
0x1b: {  	s9 =	sadd.s32 $0xFFFFFEF7, lr;
	s5 =	simm.s32 $0xFFFFFFFF;
	p2 =	slt.u32 s8, $0xFFFFF086  }
0x1c: {  	p1 =	slt.u32 s9, $0xF7A;
	s5 =	simm.s32 @!p2 $0x0  }
0x1d: {  	s5 =	simm.s32 @p1 $0x1;
	p0 =	seq.s32 s7, s2  }
0x1e: {  	s7 =	smul.u32 @!p0 $0xF7A, s2;
	p2 =	seq.s32 @!p0 s5, $0x0  }
0x1f: {  	s9 =	smul.u32 $0xF7A, s1;
	s8 =	simm.s32 @!p0 $0x1BF5;
	p2 =	por !p2, p0  }
0x20: {  	[sflag:s8] =	ssyncset.s32 @!p0 $0xFFFFF086;
	s6 =	sadd.s32 @!p0 s3, s7;
	s7 =	simm.s32 @!p0 $0x108  }
0x21: {  	s3 =	sadd.s32 s3, s9;
	s6 =	sadd.s32 @!p0 $0x88, s6;
	s7 =	simm.s32 @p2 $0x1082  }
0x22: {  	[simem:s7], [sflag:s8] =	dma.local @!p0 [hbm:s6], $0xF7A  }
0x23: {  	s9 =	sor.u32 $0xD0000000, s2;
	s6 =	simm.s32 $0x108;
	_ =	swait.ge @!p0 [sflag:s8], $0x0  }
0x24: {  	s3 =	sadd.s32 $0x88, s3;
	s6 =	simm.s32 @!p1 $0x1082;
	[sflag:s4] =	ssyncset.s32 $0xFFFFF086  }
0x25: {  	[simem:s6], [sflag:s4] =	dma.local [hbm:s3], $0xF7A  }
0x26: {  	[smem:$0x3F9D] =	sst s1;
	(tag) =	ssettag s2;
	_ =	strace s9  }
0x27: {  	s1 =	sld [smem:$0x3FAD]  }
0x28: {  	s2 =	sld [smem:$0x3FAE]  }
0x29: {  	s4 =	sld [smem:$0x3FB0]  }
0x2a: {  	p0 =	seq.s32 s5, $0x0;
	s5 =	sld [smem:$0x3FB1]  }
0x2b: {  	s6 =	sld [smem:$0x3FB2]  }
0x2c: {  	s7 =	sld [smem:$0x3FB3]  }
0x2d: {  	s3 =	simm.s32 $0x108;
	s8 =	sld [smem:$0x3FB4]  }
0x2e: {  	s3 =	simm.s32 @!p0 $0x1082;
	s9 =	sld [smem:$0x3FB5]  }
0x2f: {  	lr =	sadd.s32 s0, s3;
	s0 =	sld [smem:$0x3FAC]  }
0x30: {  	s3 =	sld [smem:$0x3FAF]  }
0x31: {  	[smem:$0x3FB8] =	sst s10  }
0x32: {  	s10 =	sld [smem:$0x3FB6];
	_ =	sdelay $0x3  }
0x33: {  	p0 =	seq.s32 s10, $0x1;
	s10 =	sld [smem:$0x3FB8];
	_ =	sdelay $0x3  }
0x34: {  	[smem:$0x3FB8] =	sst s10  }
0x35: {  	s10 =	sld [smem:$0x3FB7];
	_ =	sdelay $0x3  }
0x36: {  	p1 =	seq.s32 s10, $0x1;
	s10 =	sld [smem:$0x3FB8];
	_ =	sdelay $0x3  }
0x37: {  	[smem:$0x3FB8] =	sst s10  }
0x38: {  	s10 =	sld [smem:$0x3FB9]  }
0x39: {  	_ = 	snop;
	(pc) =	sbr.ind lr, $3  }
0x3a: {  	_ = 	snop  }
0x3b: {  	_ = 	snop  }
0x3c: {  	p2 =	seq.s32 s10, $0x1;
	s10 =	sld [smem:$0x3FB8]  }
0x3d: {  	_ =	shalt  }
0x3e: {  	_ =	shalt  }
0x3f: {  	_ =	shalt  }
0x40: {  	_ =	shalt  }
0x41: {  	_ =	shalt  }
0x42: {  	_ =	shalt  }
0x43: {  	_ =	shalt  }
0x44: {  	_ =	shalt  }
0x45: {  	_ =	shalt  }
0x46: {  	_ =	shalt  }
0x47: {  	_ =	shalt  }
0x48: {  	_ =	shalt  }
0x49: {  	_ =	shalt  }
0x4a: {  	_ =	shalt  }
0x4b: {  	_ =	shalt  }
0x4c: {  	_ =	shalt  }
0x4d: {  	_ =	shalt  }
0x4e: {  	_ =	shalt  }
0x4f: {  	_ =	shalt  }
0x50: {  	_ =	shalt  }
0x51: {  	_ =	shalt  }
0x52: {  	_ =	shalt  }
0x53: {  	_ =	shalt  }
0x54: {  	_ =	shalt  }
0x55: {  	_ =	shalt  }
0x56: {  	_ =	shalt  }
0x57: {  	_ =	shalt  }
0x58: {  	_ =	shalt  }
0x59: {  	_ =	shalt  }
0x5a: {  	_ =	shalt  }
0x5b: {  	_ =	shalt  }
0x5c: {  	_ =	shalt  }
0x5d: {  	_ =	shalt  }
0x5e: {  	_ =	shalt  }
0x5f: {  	_ =	shalt  }
0x60: {  	_ =	shalt  }
0x61: {  	_ =	shalt  }
0x62: {  	_ =	shalt  }
0x63: {  	_ =	shalt  }
0x64: {  	_ =	shalt  }
0x65: {  	_ =	shalt  }
0x66: {  	_ =	shalt  }
0x67: {  	_ =	shalt  }
0x68: {  	_ =	shalt  }
0x69: {  	_ =	shalt  }
0x6a: {  	_ =	shalt  }
0x6b: {  	_ =	shalt  }
0x6c: {  	_ =	shalt  }
0x6d: {  	_ =	shalt  }
0x6e: {  	_ =	shalt  }
0x6f: {  	_ =	shalt  }
0x70: {  	_ =	shalt  }
0x71: {  	_ =	shalt  }
0x72: {  	_ =	shalt  }
0x73: {  	_ =	shalt  }
0x74: {  	_ =	shalt  }
0x75: {  	_ =	shalt  }
0x76: {  	_ =	shalt  }
0x77: {  	_ =	shalt  }
0x78: {  	_ =	shalt  }
0x79: {  	_ =	shalt  }
0x7a: {  	_ =	shalt  }
0x7b: {  	_ =	shalt  }
0x7c: {  	_ =	shalt  }
0x7d: {  	_ =	shalt  }
0x7e: {  	_ =	shalt  }
0x7f: {  	_ =	shalt  }
0x80: {  	_ =	shalt  }
0x81: {  	_ =	shalt  }
0x82: {  	_ =	shalt  }
0x83: {  	_ =	shalt  }
0x84: {  	_ =	shalt  }
0x85: {  	_ =	shalt  }
0x86: {  	_ =	shalt  }
0x87: {  	_ =	shalt  }
.Lfunc_end0:
.L_simem_size_0:
called_computation_lowered:
.L_overlay_start_0:
0x88: {  	s2 =	sld [smem:$0x3FD9]  }
0x89: {  	s3 =	sld [smem:$0x3FFE];
	_ =	sdelay $0x1  }
0x8a: {  	s1 =	srdreg.scid  }
0x8b: {  	s0 =	sand.u32 $0x1, s1  }
0x8c: {  	s17 =	sshll.u32 s0, $0xA;
	s2 =	sadd.s32 s3, s2  }
0x8d: {  	s2 =	sadd.s32 s2, s17  }
0x8e: {  	[smem:$0x3FC4] =	sst s2  }
0x8f: {  	_ = 	snop  }
0x90: {  	s2 =	sld [smem:$0x3FC9]  }
0x91: {  	s18 =	sld [smem:$0x3FC8]  }
0x92: {  	s4 =	sld [smem:$0x3FD0];
	(tm) =	ssettm $0x1  }
0x93: {  	s5 =	sld [smem:$0x3FFB];
	_ =	sdelay $0x3  }
0x94: {  	_ =	strace s5  }
0x95: {  	s5 =	sld [smem:$0x3FFC];
	_ =	sdelay $0x3  }
0x96: {  	_ =	strace s5  }
0x97: {  	s5 =	sld [smem:$0x3FFD];
	_ =	sdelay $0x3  }
0x98: {  	_ =	strace s5  }
0x99: {  	_ =	strace $0x8FFFFFFF  }
0x9a: {  	s19 =	sld [smem:$0x3FDB];
	_ =	sdelay $0x1  }
0x9b: {  	s6 =	simm.s32 $_scs_section_size  }
0x9c: {  	s7 =	simm.s32 $_size__tile_overlayer_lowered;
	s8 =	simm.s32 $_tile_overlayer_lowered  }
0x9d: {  	s22 =	simm.s32 $0x1BFF;
	s21 =	sshll.u32 s8, $0x1;
	s5 =	sadd.s32 s6, s19  }
0x9e: {  	s9 =	simm.s32 $0x0;
	s20 =	sshll.u32 s7, $0x1;
	s7 =	sadd.s32 s21, s5  }
0x9f: {  	[timem:s9], [sflag:s22] =	dma.local [hbm:s7], s20  }
0xa0: {  	_ =	swait.ge [sflag:s22], s20  }
0xa1: {  	s6 =	ssub.s32 $0x0, s20;
	[sflag:s22] =	ssyncset.done $0x0  }
0xa2: {  	[sflag:s22] =	ssyncadd.s32 s6;
	_ =	sdelay $0x1  }
0xa3: {  	s23 =	simm.s32 $0x1B8B  }
0xa4: {  	_ =	swait.ge [sflag:s23], $0x1  }
0xa5: {  	[sflag:s23] =	ssyncset.done $0x0  }
0xa6: {  	s25 =	simm.s32 $0x1B8E;
	s24 =	sld [smem:$0x3FFE];
	[sflag:s23] =	ssyncadd.s32 $0xFFFFFFFF  }
0xa7: {  	s26 =	simm.s32 $execute0_lowered;
	[smem:$0x3FD2] =	sst s25  }
0xa8: {  	s7 =	sshll.u32 s26, $0x1;
	_ =	strace $0x80000046;
	[dreg:$0x1] =	wrdreg $0xFFFFFFFF  }
0xa9: {  	s28 =	simm.s32 $_size_execute0_lowered;
	s5 =	sadd.s32 s5, s7;
	[dreg:$0x0] =	wrdreg $0x0  }
0xaa: {  	s7 =	sshll.u32 s28, $0x1;
	[dreg:$0x2] =	wrdreg s5  }
0xab: {  	[dreg:$0x3] =	wrdreg s7  }
0xac: {  	[dreg:$0x4] =	wrdreg $0xC0  }
0xad: {  	_ =	task [dreg:s9], $0x5FFFF  }
0xae: {  	[dreg:$0x1] =	wrdreg $0xFFFFFFFF  }
0xaf: {  	[dreg:$0x0] =	wrdreg $0x60  }
0xb0: {  	[dreg:$0x2] =	wrdreg s2  }
0xb1: {  	[dreg:$0x3] =	wrdreg s18  }
0xb2: {  	[dreg:$0x4] =	wrdreg s24  }
0xb3: {  	[dreg:$0x5] =	wrdreg s4  }
0xb4: {  	[dreg:$0x6] =	wrdreg $0x9  }
0xb5: {  	_ =	task.clear_ibuf [dreg:s9], $0x7FFFF;
	_ =	strace $0x90000046  }
0xb6: {  	s29 =	simm.s32 $0x9;
	_ =	strace $0x80000048  }
0xb7: {  	_ =	swait.ge [sflag:s29], $0x1  }
0xb8: {  	[sflag:s29] =	ssyncadd.s32 $0xFFFFFFFF  }
0xb9: {  	_ =	strace $0x90000048  }
0xba: {  	_ =	sfence  }
0xbb: {  	s30 =	sld [smem:$0x0];
	_ =	sdelay $0x2  }
0xbc: {  	s31 =	sshll.u32 s1, $0xD;
	s1 =	sshrl.u32 s1, $0x2  }
0xbd: {  	s3 =	sand.u32 $0x4000, s31;
	s1 =	sadd.s32 s1, s30  }
0xbe: {  	s0 =	sor.u32 s3, s0;
	s1 =	sshll.u32 s1, $0x11  }
0xbf: {  	s0 =	sor.u32 s1, s0  }
0xc0: {  	s0 =	sadd.s32 $0x8F2B, s0  }
0xc1: {  	[sflag:s0] =	ssyncadd.remote.s32 $0x1  }
0xc2: {  	_ =	sfence.sel $0xFFFF  }
0xc3: {  	[dreg:$0x0] =	wrdreg $0xFFFFFFFF;
	(pc) =	sbr.abs _section_cstart, $3  }
0xc4: {  	[dreg:$0x1] =	wrdreg $0xFFFFFFFF  }
0xc5: {  	_ =	task.clear_ibuf [dreg:s9], $0x2FFFF;
	_ =	strace $0x9FFFFFFF  }
0xc6: {  	(tm) =	ssettm $0x7FFFFFFF  }
0xc7: {  	_ =	shalt  }
tec
execute0_lowered:
.L_overlay_start_1:
0x0: {  	(tag) =	ssettag $0x1  }
0x1: {  	s5 =	rddreg [dreg:$0x0]  }
0x2: {  	s6 =	rddreg [dreg:$0x1]  }
0x3: {  	s4 =	rddreg [dreg:$0x2]  }
0x4: {  	s7 =	rddreg [dreg:$0x3]  }
0x5: {  	s0 =	rddreg [dreg:$0x4];
	s1 =	simm.s32 $0x0  }
0x6: {  	s8 =	srdreg.scid;
	s2 =	stileid.u32;
	s12 =	simm.s32 $0x800  }
0x7: {  	s13 =	simm.s32 $0x4800;
	s14 =	simm.s32 $0x1;
	s15 =	simm.s32 $0x2  }
0x8: {  	s16 =	simm.s32 $0x8800;
	s17 =	simm.s32 $0x9000;
	s18 =	simm.s32 $0x0  }
0x9: {  	[smem:$0x7FF] =	sst s1;
	s3 =	sadd.s32 $0x3D1000, s4;
	s8 =	sand.u32 $0x1, s8  }
0xa: {  	s10 =	sshll.u32 s2, $0x7;
	s4 =	sadd.s32 $0x600, s4;
	s9 =	ssub.s32 $0x2, s8  }
0xb: {  	_ =	strace $0x80000047;
	s8 =	sshll.u32 s8, $0x6;
	s11 =	sshrl.u32 s9, $0x1  }
0xc: {  	s8 =	sor.u32 s8, s10;
	s10 =	simm.s32 $0x200;
	s9 =	ssub.s32 s9, s11  }
0xd: {  	v0 =	vlaneseq.u32;
	s5 =	sadd.s32 s5, s8;
	s6 =	sadd.s32 s6, s8;
	s7 =	sadd.s32 s7, s8  }
0xe: {  	v0 =	vmul.u32 $0x80, v0;
	s11 =	simm.s32 $0x80;
	s8 =	smax.u32 s9, $0x1;
	s9 =	simm.s32 $0x3  }
.LBB2_1:
0xf: {  	[tilespmem:s1], [sflag:$0x3] =	stream.linear.gather [hbm4b:s5+s1], $0x200, $0x38;
	[tilespmem:$0x9200] =	vst v63  }
0x10: {  	_ =	swait.ge [sflag:s9], $0x200  }
0x11: {  	[sflag:s9] =	ssyncset.done $0x0  }
0x12: {  	[sflag:s9] =	ssyncadd.s32 $0xFFFFFE00  }
0x13: {  	[tilespmem:s10], [sflag:$0x3] =	stream.linear.gather [hbm4b:s6+s1], $0x200, $0x38;
	[tilespmem:$0x9200] =	vst v63  }
0x14: {  	_ =	swait.ge [sflag:s9], $0x200  }
0x15: {  	[sflag:s9] =	ssyncset.done $0x0  }
0x16: {  	s20 =	simm.s32 $0x0;
	[sflag:s9] =	ssyncadd.s32 $0xFFFFFE00  }
0x17: {  	v1 =	vld [tilespmem:s20+$0x200]  }
0x18: {  	s19 =	simm.s32 $0x40;
	v2 =	vld [tilespmem:s20+$0x0]  }
.LBB2_2:
0x19: {  	p0 =	sne.s32 s19, $0x7C0  }
.Ltmp0:
0x1a: {  	_ = 	snop;
	(pc) =	sbr.rel @p0 .LBB2_2-.Ltmp0, $4  }
0x1b: {  	_ = 	snop  }
0x1c: {  	s21 =	sshra.s32 s19, $0x2;
	s19 =	sadd.s32 $0x40, s19;
	v3 =	vshrl.u32 v1, $0x2  }
0x1d: {  	v1 =	vld [tilespmem:s21+$0x200];
	v4 =	vshrl.u32 v2, $0x2;
	[tilespmem:s20+$0x600] =	vst v3  }
0x1e: {  	v2 =	vld [tilespmem:s21+$0x0];
	[tilespmem:s20+$0x400] =	vst v4;
	s20 =	smov.u32 s21  }
0x1f: {  	_ =	sdelay $0x2  }
0x20: {  	v1 =	vshrl.u32 v1, $0x2  }
0x21: {  	s19 =	simm.s32 $0x0;
	v2 =	vshrl.u32 v2, $0x2;
	[tilespmem:s20+$0x600] =	vst v1  }
0x22: {  	s21 =	simm.s32 $0x9000;
	s22 =	simm.s32 $0x0;
	[tilespmem:s20+$0x400] =	vst v2;
	s20 =	simm.s32 $0x200  }
.LBB2_4:
0x23: {  	s23 =	sshll.u32 s22, $0x7  }
0x24: {  	s24 =	sadd.s32 $0x400, s23  }
0x25: {  	[tilespmem:s12], [sflag:$0x1] =	stream.indirect.gather [hbm4b:s3+s11], $0x80, s24, s11, $0xb8;
	[tilespmem:$0x9200] =	vst v63  }
0x26: {  	s23 =	sadd.s32 $0x600, s23  }
0x27: {  	[tilespmem:s13], [sflag:$0x2] =	stream.indirect.gather [hbm4b:s4+s11], $0x80, s23, s11, $0xb8;
	[tilespmem:$0x9200] =	vst v63  }
0x28: {  	_ =	swait.ge [sflag:s14], $0x4000  }
0x29: {  	[sflag:s14] =	ssyncset.done $0x0  }
0x2a: {  	[sflag:s14] =	ssyncadd.s32 $0xFFFFC000  }
0x2b: {  	_ =	swait.ge [sflag:s15], $0x4000  }
0x2c: {  	[sflag:s15] =	ssyncset.done $0x0  }
0x2d: {  	[sflag:s15] =	ssyncadd.s32 $0xFFFFC000  }
0x2e: {  	v1 =	vld [tilespmem:s20+$0x0];
	_ =	sdelay $0x1  }
0x2f: {  	v2 =	vld [tilespmem:s19+$0x0];
	_ =	sdelay $0x2  }
0x30: {  	v1 =	vshll.u32 v1, $0x5  }
0x31: {  	s24 =	simm.s32 $0x0;
	v1 =	vand.u32 $0x60, v1  }
0x32: {  	v2 =	vshll.u32 v2, $0x5;
	v1 =	vadd.s32 s24, v1  }
0x33: {  	v2 =	vand.u32 $0x60, v2;
	(v2sf) =	vpush v1, $0x0  }
0x34: {  	v2 =	vadd.s32 s24, v2  }
0x35: {  	(v2sf) =	vpush v2, $0x0;
	_ =	sdelay $0xa  }
0x36: {  	(v2sf) =	vpush v1, $0x1;
	_ =	sdelay $0x1  }
0x37: {  	(v2sf) =	vpush v2, $0x1;
	s25 =	spop (v2sf)  }
0x38: {  	v3 =	vld [tilespmem:s25+$0x4800]  }
0x39: {  	s26 =	spop (v2sf);
	v4 =	vld [tilespmem:s25+$0x4810]  }
0x3a: {  	s31 =	simm.s32 $0x0;
	v5 =	vld [tilespmem:s26+$0x800]  }
0x3b: {  	v7 =	vmov s31;
	v6 =	vld [tilespmem:s26+$0x810]  }
0x3c: {  	v7 =	vand.u32 $0x70, v7  }
0x3d: {  	v7 =	vbroadcast v7, $0x0;
	_ =	sdelay $0x1  }
0x3e: {  	v7 =	vor.u32 v0, v7  }
0x3f: {  	v3 =	vmul.f32 v3, v5;
	v4 =	vmul.f32 v4, v6;
	_ =	sdelay $0x1  }
0x40: {  	(v2sf) =	vpush v2, $0x2;
	v3 =	vadd.f32 v4, v3;
	_ =	sdelay $0x1  }
0x41: {  	(v2sf) =	vpush v1, $0x2;
	s25 =	spop (v2sf);
	[tilespmem:v7+s16+$0x0] =	vst.idx.msk $0xffff, v3  }
0x42: {  	v3 =	vld [tilespmem:s25+$0x4890]  }
0x43: {  	s26 =	spop (v2sf);
	v4 =	vld [tilespmem:s25+$0x4880]  }
0x44: {  	s31 =	simm.s32 $0x1;
	v5 =	vld [tilespmem:s26+$0x880]  }
0x45: {  	v7 =	vmov s31;
	v6 =	vld [tilespmem:s26+$0x890]  }
0x46: {  	v7 =	vand.u32 $0x71, v7  }
0x47: {  	v7 =	vbroadcast v7, $0x0;
	_ =	sdelay $0x1  }
0x48: {  	v7 =	vor.u32 v0, v7  }
0x49: {  	v4 =	vmul.f32 v4, v5;
	v3 =	vmul.f32 v3, v6;
	_ =	sdelay $0x1  }
0x4a: {  	(v2sf) =	vpush v2, $0x3;
	v3 =	vadd.f32 v3, v4;
	_ =	sdelay $0x1  }
0x4b: {  	s25 =	spop (v2sf);
	(v2sf) =	vpush v1, $0x3;
	[tilespmem:v7+s16+$0x0] =	vst.idx.msk $0xffff, v3  }
0x4c: {  	v3 =	vld [tilespmem:s25+$0x900]  }
0x4d: {  	s26 =	spop (v2sf);
	v4 =	vld [tilespmem:s25+$0x910]  }
0x4e: {  	s31 =	simm.s32 $0x2;
	v5 =	vld [tilespmem:s26+$0x4900]  }
0x4f: {  	v7 =	vmov s31;
	v6 =	vld [tilespmem:s26+$0x4910]  }
0x50: {  	v7 =	vand.u32 $0x72, v7  }
0x51: {  	v7 =	vbroadcast v7, $0x0;
	_ =	sdelay $0x1  }
0x52: {  	v7 =	vor.u32 v0, v7  }
0x53: {  	v3 =	vmul.f32 v5, v3;
	v4 =	vmul.f32 v6, v4;
	_ =	sdelay $0x1  }
0x54: {  	(v2sf) =	vpush v1, $0x4;
	v3 =	vadd.f32 v4, v3  }
0x55: {  	(v2sf) =	vpush v2, $0x4  }
0x56: {  	s25 =	spop (v2sf);
	[tilespmem:v7+s16+$0x0] =	vst.idx.msk $0xffff, v3  }
0x57: {  	v3 =	vld [tilespmem:s25+$0x980]  }
0x58: {  	s26 =	spop (v2sf);
	v4 =	vld [tilespmem:s25+$0x990]  }
0x59: {  	s31 =	simm.s32 $0x3;
	v5 =	vld [tilespmem:s26+$0x4990]  }
0x5a: {  	v7 =	vmov s31;
	v6 =	vld [tilespmem:s26+$0x4980]  }
0x5b: {  	v7 =	vand.u32 $0x73, v7  }
0x5c: {  	v7 =	vbroadcast v7, $0x0;
	_ =	sdelay $0x1  }
0x5d: {  	v7 =	vor.u32 v0, v7  }
0x5e: {  	v3 =	vmul.f32 v6, v3;
	v4 =	vmul.f32 v5, v4;
	_ =	sdelay $0x1  }
0x5f: {  	(v2sf) =	vpush v2, $0x5;
	v3 =	vadd.f32 v4, v3;
	_ =	sdelay $0x1  }
0x60: {  	s25 =	spop (v2sf);
	(v2sf) =	vpush v1, $0x5;
	[tilespmem:v7+s16+$0x0] =	vst.idx.msk $0xffff, v3  }
0x61: {  	s26 =	spop (v2sf);
	v3 =	vld [tilespmem:s25+$0x4A00]  }
0x62: {  	v4 =	vld [tilespmem:s26+$0xA10]  }
0x63: {  	s31 =	simm.s32 $0x4;
	v5 =	vld [tilespmem:s26+$0xA00]  }
0x64: {  	v7 =	vmov s31;
	v6 =	vld [tilespmem:s25+$0x4A10]  }
0x65: {  	v7 =	vand.u32 $0x74, v7  }
0x66: {  	v7 =	vbroadcast v7, $0x0;
	_ =	sdelay $0x1  }
0x67: {  	v7 =	vor.u32 v0, v7  }
0x68: {  	v3 =	vmul.f32 v3, v5;
	v4 =	vmul.f32 v6, v4;
	_ =	sdelay $0x1  }
0x69: {  	(v2sf) =	vpush v2, $0x6;
	v3 =	vadd.f32 v4, v3;
	_ =	sdelay $0x1  }
0x6a: {  	s24 =	spop (v2sf);
	(v2sf) =	vpush v1, $0x6;
	[tilespmem:v7+s16+$0x0] =	vst.idx.msk $0xffff, v3  }
0x6b: {  	v3 =	vld [tilespmem:s24+$0xA90]  }
0x6c: {  	s25 =	spop (v2sf);
	v4 =	vld [tilespmem:s24+$0xA80]  }
0x6d: {  	s26 =	simm.s32 $0x5;
	v5 =	vld [tilespmem:s25+$0x4A90]  }
0x6e: {  	v7 =	vmov s26;
	v6 =	vld [tilespmem:s25+$0x4A80]  }
0x6f: {  	v7 =	vand.u32 $0x75, v7  }
0x70: {  	v7 =	vbroadcast v7, $0x0;
	_ =	sdelay $0x1  }
0x71: {  	v7 =	vor.u32 v0, v7  }
0x72: {  	v3 =	vmul.f32 v5, v3;
	v4 =	vmul.f32 v6, v4;
	_ =	sdelay $0x1  }
0x73: {  	(v2sf) =	vpush v1, $0x7;
	v3 =	vadd.f32 v3, v4  }
0x74: {  	(v2sf) =	vpush v2, $0x7  }
0x75: {  	s31 =	spop (v2sf);
	[tilespmem:v7+s16+$0x0] =	vst.idx.msk $0xffff, v3  }
0x76: {  	v3 =	vld [tilespmem:s31+$0xB00]  }
0x77: {  	s24 =	spop (v2sf);
	v4 =	vld [tilespmem:s31+$0xB10]  }
0x78: {  	s25 =	simm.s32 $0x6;
	v5 =	vld [tilespmem:s24+$0x4B10]  }
0x79: {  	v7 =	vmov s25;
	v6 =	vld [tilespmem:s24+$0x4B00]  }
0x7a: {  	v7 =	vand.u32 $0x76, v7  }
0x7b: {  	v7 =	vbroadcast v7, $0x0;
	_ =	sdelay $0x1  }
0x7c: {  	v7 =	vor.u32 v0, v7  }
0x7d: {  	v3 =	vmul.f32 v6, v3;
	v4 =	vmul.f32 v5, v4;
	_ =	sdelay $0x1  }
0x7e: {  	(v2sf) =	vpush v2, $0x8;
	v3 =	vadd.f32 v4, v3;
	_ =	sdelay $0x1  }
0x7f: {  	s26 =	spop (v2sf);
	(v2sf) =	vpush v1, $0x8;
	[tilespmem:v7+s16+$0x0] =	vst.idx.msk $0xffff, v3  }
0x80: {  	s31 =	spop (v2sf);
	v3 =	vld [tilespmem:s26+$0x4B90]  }
0x81: {  	v4 =	vld [tilespmem:s31+$0xB90]  }
0x82: {  	s25 =	simm.s32 $0x7;
	v5 =	vld [tilespmem:s26+$0x4B80]  }
0x83: {  	v7 =	vmov s25;
	v6 =	vld [tilespmem:s31+$0xB80]  }
0x84: {  	v7 =	vand.u32 $0x77, v7  }
0x85: {  	v7 =	vbroadcast v7, $0x0;
	_ =	sdelay $0x1  }
0x86: {  	v7 =	vor.u32 v0, v7  }
0x87: {  	v3 =	vmul.f32 v3, v4;
	v4 =	vmul.f32 v5, v6;
	_ =	sdelay $0x1  }
0x88: {  	(v2sf) =	vpush v2, $0x9;
	v3 =	vadd.f32 v3, v4;
	_ =	sdelay $0x1  }
0x89: {  	(v2sf) =	vpush v1, $0x9;
	s25 =	spop (v2sf);
	[tilespmem:v7+s16+$0x0] =	vst.idx.msk $0xffff, v3  }
0x8a: {  	v3 =	vld [tilespmem:s25+$0xC00]  }
0x8b: {  	s26 =	spop (v2sf);
	v4 =	vld [tilespmem:s25+$0xC10]  }
0x8c: {  	s31 =	simm.s32 $0x8;
	v5 =	vld [tilespmem:s26+$0x4C10]  }
0x8d: {  	v7 =	vmov s31;
	v6 =	vld [tilespmem:s26+$0x4C00]  }
0x8e: {  	v7 =	vand.u32 $0x78, v7  }
0x8f: {  	v7 =	vbroadcast v7, $0x0;
	_ =	sdelay $0x1  }
0x90: {  	v7 =	vor.u32 v0, v7  }
0x91: {  	v4 =	vmul.f32 v5, v4;
	v3 =	vmul.f32 v6, v3;
	_ =	sdelay $0x1  }
0x92: {  	(v2sf) =	vpush v2, $0xA;
	v3 =	vadd.f32 v4, v3;
	_ =	sdelay $0x1  }
0x93: {  	s25 =	spop (v2sf);
	(v2sf) =	vpush v1, $0xA;
	[tilespmem:v7+s16+$0x0] =	vst.idx.msk $0xffff, v3  }
0x94: {  	v3 =	vld [tilespmem:s25+$0xC80]  }
0x95: {  	s26 =	spop (v2sf);
	v4 =	vld [tilespmem:s25+$0xC90]  }
0x96: {  	s31 =	simm.s32 $0x9;
	v5 =	vld [tilespmem:s26+$0x4C90]  }
0x97: {  	v7 =	vmov s31;
	v6 =	vld [tilespmem:s26+$0x4C80]  }
0x98: {  	v7 =	vand.u32 $0x79, v7  }
0x99: {  	v7 =	vbroadcast v7, $0x0;
	_ =	sdelay $0x1  }
0x9a: {  	v7 =	vor.u32 v0, v7  }
0x9b: {  	v4 =	vmul.f32 v5, v4;
	v3 =	vmul.f32 v6, v3;
	_ =	sdelay $0x1  }
0x9c: {  	(v2sf) =	vpush v2, $0xB;
	v3 =	vadd.f32 v4, v3  }
0x9d: {  	(v2sf) =	vpush v1, $0xB  }
0x9e: {  	s25 =	spop (v2sf);
	[tilespmem:v7+s16+$0x0] =	vst.idx.msk $0xffff, v3  }
0x9f: {  	v3 =	vld [tilespmem:s25+$0xD00]  }
0xa0: {  	s26 =	spop (v2sf);
	v4 =	vld [tilespmem:s25+$0xD10]  }
0xa1: {  	s31 =	simm.s32 $0xA;
	v5 =	vld [tilespmem:s26+$0x4D10]  }
0xa2: {  	v7 =	vmov s31;
	v6 =	vld [tilespmem:s26+$0x4D00]  }
0xa3: {  	v7 =	vand.u32 $0x7A, v7  }
0xa4: {  	v7 =	vbroadcast v7, $0x0;
	_ =	sdelay $0x1  }
0xa5: {  	v7 =	vor.u32 v0, v7  }
0xa6: {  	v3 =	vmul.f32 v6, v3;
	v4 =	vmul.f32 v5, v4;
	_ =	sdelay $0x1  }
0xa7: {  	(v2sf) =	vpush v2, $0xC;
	v3 =	vadd.f32 v4, v3  }
0xa8: {  	(v2sf) =	vpush v1, $0xC  }
0xa9: {  	s25 =	spop (v2sf);
	[tilespmem:v7+s16+$0x0] =	vst.idx.msk $0xffff, v3  }
0xaa: {  	s26 =	spop (v2sf);
	v3 =	vld [tilespmem:s25+$0xD90]  }
0xab: {  	v4 =	vld [tilespmem:s26+$0x4D90]  }
0xac: {  	s31 =	simm.s32 $0xB;
	v5 =	vld [tilespmem:s25+$0xD80]  }
0xad: {  	v7 =	vmov s31;
	v6 =	vld [tilespmem:s26+$0x4D80]  }
0xae: {  	v7 =	vand.u32 $0x7B, v7  }
0xaf: {  	v7 =	vbroadcast v7, $0x0;
	_ =	sdelay $0x1  }
0xb0: {  	v7 =	vor.u32 v0, v7  }
0xb1: {  	v3 =	vmul.f32 v4, v3;
	v4 =	vmul.f32 v6, v5;
	_ =	sdelay $0x1  }
0xb2: {  	v3 =	vadd.f32 v3, v4  }
0xb3: {  	(v2sf) =	vpush v1, $0xD  }
0xb4: {  	s31 =	simm.s32 $0xE;
	s25 =	simm.s32 $0xD;
	s26 =	spop (v2sf);
	(v2sf) =	vpush v2, $0xD;
	[tilespmem:v7+s16+$0x0] =	vst.idx.msk $0xffff, v3  }
0xb5: {  	s29 =	spop (v2sf);
	v4 =	vmov s31;
	v3 =	vmov s25;
	v5 =	vld [tilespmem:s26+$0xE10]  }
0xb6: {  	s30 =	simm.s32 $0xC;
	s28 =	smov.u32 s20;
	s23 =	simm.s32 $0xF;
	v7 =	vand.u32 $0x7E, v4;
	v3 =	vand.u32 $0x7D, v3;
	v6 =	vld [tilespmem:s29+$0x4E10]  }
0xb7: {  	s24 =	simm.s32 $0xF;
	s25 =	simm.s32 $0x2000;
	v4 =	vbroadcast v3, $0x0;
	v3 =	vbroadcast v7, $0x0;
	v7 =	vld [tilespmem:s26+$0xE00];
	s26 =	smov.u32 s19  }
.LBB2_5:
0xb8: {  	s26 =	sadd.s32 $0x10, s26  }
0xb9: {  	v8 =	vld [tilespmem:s29+$0x4E00];
	v9 =	vmov s30;
	s28 =	sadd.s32 $0x10, s28;
	s24 =	sadd.s32 $0x10, s24;
	s29 =	smov.u32 s25  }
0xba: {  	p0 =	sne.s32 s25, $0xE000;
	s25 =	sadd.s32 $0x2000, s25;
	s30 =	sadd.s32 $0xFFFFFFFE, s24;
	v9 =	vand.u32 $0x7C, v9  }
0xbb: {  	v10 =	vmov s30;
	s30 =	sadd.s32 $0xFFFFFFFF, s24;
	v9 =	vbroadcast v9, $0x0  }
0xbc: {  	v10 =	vand.u32 $0x7D, v10;
	v11 =	vmov s30  }
0xbd: {  	v5 =	vmul.f32 v6, v5;
	v10 =	vbroadcast v10, $0x0;
	v6 =	vor.u32 v0, v9  }
0xbe: {  	v9 =	vand.u32 $0x7E, v11;
	v7 =	vmul.f32 v8, v7  }
0xbf: {  	v8 =	vbroadcast v9, $0x0  }
0xc0: {  	v5 =	vadd.f32 v5, v7;
	(v2sf) =	vpush v2, $0xE;
	_ =	sdelay $0x1  }
0xc1: {  	[tilespmem:v6+s16+$0x0] =	vst.idx.msk $0xffff, v5;
	s30 =	spop (v2sf);
	(v2sf) =	vpush v1, $0xE  }
0xc2: {  	v5 =	vld [tilespmem:s30+$0x4E90];
	s31 =	spop (v2sf)  }
0xc3: {  	v6 =	vld [tilespmem:s31+$0xE90]  }
0xc4: {  	v7 =	vld [tilespmem:s30+$0x4E80]  }
0xc5: {  	v9 =	vld [tilespmem:s31+$0xE80];
	_ =	sdelay $0x2  }
0xc6: {  	v5 =	vmul.f32 v5, v6  }
0xc7: {  	v6 =	vor.u32 v0, v4;
	v4 =	vmov v10  }
0xc8: {  	v7 =	vmul.f32 v7, v9;
	_ =	sdelay $0x1  }
0xc9: {  	v5 =	vadd.f32 v5, v7;
	(v2sf) =	vpush v2, $0xF;
	_ =	sdelay $0x1  }
0xca: {  	[tilespmem:v6+s16+$0x0] =	vst.idx.msk $0xffff, v5;
	s30 =	spop (v2sf);
	(v2sf) =	vpush v1, $0xF  }
0xcb: {  	v1 =	vld [tilespmem:s30+$0xF00]  }
0xcc: {  	v2 =	vld [tilespmem:s30+$0xF10];
	s30 =	spop (v2sf)  }
0xcd: {  	v5 =	vld [tilespmem:s30+$0x4F00]  }
0xce: {  	v6 =	vld [tilespmem:s30+$0x4F10];
	_ =	sdelay $0x3  }
0xcf: {  	v1 =	vmul.f32 v5, v1;
	v5 =	vor.u32 v0, v3;
	v3 =	vmov v8  }
0xd0: {  	v2 =	vmul.f32 v6, v2;
	_ =	sdelay $0x1  }
0xd1: {  	v1 =	vadd.f32 v2, v1;
	_ =	sdelay $0x1  }
0xd2: {  	[tilespmem:v5+s16+$0x0] =	vst.idx.msk $0xffff, v1;
	s30 =	spop (v2sf)  }
0xd3: {  	v1 =	vld [tilespmem:s30+$0xF80]  }
0xd4: {  	v2 =	vld [tilespmem:s30+$0xF90];
	s30 =	spop (v2sf)  }
0xd5: {  	v5 =	vld [tilespmem:s30+$0x4F90]  }
0xd6: {  	v6 =	vld [tilespmem:s30+$0x4F80];
	_ =	sdelay $0x2  }
0xd7: {  	v7 =	vor.u32 s23, v0;
	s23 =	smov.u32 s24  }
0xd8: {  	v2 =	vmul.f32 v5, v2  }
0xd9: {  	v1 =	vmul.f32 v6, v1;
	_ =	sdelay $0x1  }
0xda: {  	v1 =	vadd.f32 v2, v1;
	_ =	sdelay $0x1  }
0xdb: {  	[tilespmem:v7+s16+$0x0] =	vst.idx.msk $0xffff, v1  }
0xdc: {  	v1 =	vld [tilespmem:s28+$0x0]  }
0xdd: {  	v2 =	vld [tilespmem:s26+$0x0];
	_ =	sdelay $0x3  }
0xde: {  	v1 =	vshll.u32 v1, $0x5  }
0xdf: {  	s29 =	sshra.s32 s29, $0x2;
	v2 =	vshll.u32 v2, $0x5;
	v1 =	vand.u32 $0x60, v1  }
0xe0: {  	v2 =	vand.u32 $0x60, v2;
	v1 =	vadd.s32 s29, v1  }
0xe1: {  	v2 =	vadd.s32 s29, v2;
	(v2sf) =	vpush v1, $0x0  }
0xe2: {  	(v2sf) =	vpush v2, $0x0;
	_ =	sdelay $0xb  }
0xe3: {  	(v2sf) =	vpush v1, $0x1  }
0xe4: {  	(v2sf) =	vpush v2, $0x1  }
0xe5: {  	s29 =	spop (v2sf)  }
0xe6: {  	v5 =	vld [tilespmem:s29+$0x4800];
	s30 =	spop (v2sf)  }
0xe7: {  	v6 =	vld [tilespmem:s29+$0x4810]  }
0xe8: {  	s29 =	sadd.s32 $0xFFFFFFF1, s24;
	v7 =	vld [tilespmem:s30+$0x800]  }
0xe9: {  	v9 =	vmov s29;
	v8 =	vld [tilespmem:s30+$0x810]  }
0xea: {  	v9 =	vand.u32 $0x70, v9  }
0xeb: {  	v9 =	vbroadcast v9, $0x0;
	_ =	sdelay $0x1  }
0xec: {  	v5 =	vmul.f32 v5, v7;
	v7 =	vor.u32 v0, v9  }
0xed: {  	v6 =	vmul.f32 v6, v8;
	_ =	sdelay $0x1  }
0xee: {  	v5 =	vadd.f32 v6, v5;
	(v2sf) =	vpush v2, $0x2;
	_ =	sdelay $0x1  }
0xef: {  	[tilespmem:v7+s16+$0x0] =	vst.idx.msk $0xffff, v5;
	s29 =	spop (v2sf);
	(v2sf) =	vpush v1, $0x2  }
0xf0: {  	v5 =	vld [tilespmem:s29+$0x4890];
	s30 =	spop (v2sf)  }
0xf1: {  	v6 =	vld [tilespmem:s29+$0x4880]  }
0xf2: {  	s29 =	sadd.s32 $0xFFFFFFF2, s24;
	v7 =	vld [tilespmem:s30+$0x880]  }
0xf3: {  	v9 =	vmov s29;
	v8 =	vld [tilespmem:s30+$0x890]  }
0xf4: {  	v9 =	vand.u32 $0x71, v9  }
0xf5: {  	v9 =	vbroadcast v9, $0x0;
	_ =	sdelay $0x1  }
0xf6: {  	v6 =	vmul.f32 v6, v7;
	v7 =	vor.u32 v0, v9  }
0xf7: {  	v5 =	vmul.f32 v5, v8;
	_ =	sdelay $0x1  }
0xf8: {  	v5 =	vadd.f32 v5, v6;
	(v2sf) =	vpush v2, $0x3;
	_ =	sdelay $0x1  }
0xf9: {  	[tilespmem:v7+s16+$0x0] =	vst.idx.msk $0xffff, v5;
	s29 =	spop (v2sf);
	(v2sf) =	vpush v1, $0x3  }
0xfa: {  	v5 =	vld [tilespmem:s29+$0x900]  }
0xfb: {  	v6 =	vld [tilespmem:s29+$0x910];
	s29 =	spop (v2sf)  }
0xfc: {  	s30 =	sadd.s32 $0xFFFFFFF3, s24;
	v7 =	vld [tilespmem:s29+$0x4900]  }
0xfd: {  	v9 =	vmov s30;
	v8 =	vld [tilespmem:s29+$0x4910]  }
0xfe: {  	v9 =	vand.u32 $0x72, v9  }
0xff: {  	v9 =	vbroadcast v9, $0x0;
	_ =	sdelay $0x1  }
0x100: {  	v5 =	vmul.f32 v7, v5;
	v7 =	vor.u32 v0, v9  }
0x101: {  	v6 =	vmul.f32 v8, v6;
	_ =	sdelay $0x1  }
0x102: {  	v5 =	vadd.f32 v6, v5;
	(v2sf) =	vpush v1, $0x4  }
0x103: {  	(v2sf) =	vpush v2, $0x4  }
0x104: {  	[tilespmem:v7+s16+$0x0] =	vst.idx.msk $0xffff, v5;
	s29 =	spop (v2sf)  }
0x105: {  	v5 =	vld [tilespmem:s29+$0x980]  }
0x106: {  	v6 =	vld [tilespmem:s29+$0x990];
	s29 =	spop (v2sf)  }
0x107: {  	s30 =	sadd.s32 $0xFFFFFFF4, s24;
	v7 =	vld [tilespmem:s29+$0x4990]  }
0x108: {  	v9 =	vmov s30;
	v8 =	vld [tilespmem:s29+$0x4980]  }
0x109: {  	v9 =	vand.u32 $0x73, v9  }
0x10a: {  	v9 =	vbroadcast v9, $0x0;
	_ =	sdelay $0x1  }
0x10b: {  	v9 =	vor.u32 v0, v9  }
0x10c: {  	v6 =	vmul.f32 v7, v6;
	v5 =	vmul.f32 v8, v5;
	_ =	sdelay $0x1  }
0x10d: {  	v5 =	vadd.f32 v6, v5  }
0x10e: {  	(v2sf) =	vpush v2, $0x5  }
0x10f: {  	[tilespmem:v9+s16+$0x0] =	vst.idx.msk $0xffff, v5;
	s29 =	spop (v2sf)  }
0x110: {  	v5 =	vld [tilespmem:s29+$0x4A00];
	s30 =	spop (v2sf);
	(v2sf) =	vpush v1, $0x5  }
0x111: {  	v6 =	vld [tilespmem:s30+$0xA10]  }
0x112: {  	v7 =	vld [tilespmem:s30+$0xA00]  }
0x113: {  	s30 =	sadd.s32 $0xFFFFFFF5, s24  }
0x114: {  	v9 =	vmov s30;
	v8 =	vld [tilespmem:s29+$0x4A10]  }
0x115: {  	v9 =	vand.u32 $0x74, v9  }
0x116: {  	v9 =	vbroadcast v9, $0x0  }
0x117: {  	v5 =	vmul.f32 v5, v7  }
0x118: {  	v7 =	vor.u32 v0, v9  }
0x119: {  	v6 =	vmul.f32 v8, v6;
	_ =	sdelay $0x1  }
0x11a: {  	v5 =	vadd.f32 v6, v5;
	(v2sf) =	vpush v2, $0x6;
	_ =	sdelay $0x1  }
0x11b: {  	[tilespmem:v7+s16+$0x0] =	vst.idx.msk $0xffff, v5;
	s29 =	spop (v2sf);
	(v2sf) =	vpush v1, $0x6  }
0x11c: {  	v5 =	vld [tilespmem:s29+$0xA90]  }
0x11d: {  	v6 =	vld [tilespmem:s29+$0xA80];
	s29 =	spop (v2sf)  }
0x11e: {  	s30 =	sadd.s32 $0xFFFFFFF6, s24;
	v7 =	vld [tilespmem:s29+$0x4A90]  }
0x11f: {  	v9 =	vmov s30;
	v8 =	vld [tilespmem:s29+$0x4A80]  }
0x120: {  	v9 =	vand.u32 $0x75, v9  }
0x121: {  	v9 =	vbroadcast v9, $0x0;
	_ =	sdelay $0x1  }
0x122: {  	v5 =	vmul.f32 v7, v5;
	v7 =	vor.u32 v0, v9  }
0x123: {  	v6 =	vmul.f32 v8, v6;
	_ =	sdelay $0x1  }
0x124: {  	v5 =	vadd.f32 v5, v6;
	(v2sf) =	vpush v1, $0x7  }
0x125: {  	(v2sf) =	vpush v2, $0x7  }
0x126: {  	[tilespmem:v7+s16+$0x0] =	vst.idx.msk $0xffff, v5;
	s29 =	spop (v2sf)  }
0x127: {  	v5 =	vld [tilespmem:s29+$0xB00]  }
0x128: {  	v6 =	vld [tilespmem:s29+$0xB10];
	s29 =	spop (v2sf)  }
0x129: {  	s30 =	sadd.s32 $0xFFFFFFF7, s24;
	v7 =	vld [tilespmem:s29+$0x4B10]  }
0x12a: {  	v9 =	vmov s30;
	v8 =	vld [tilespmem:s29+$0x4B00]  }
0x12b: {  	v9 =	vand.u32 $0x76, v9  }
0x12c: {  	v9 =	vbroadcast v9, $0x0;
	_ =	sdelay $0x1  }
0x12d: {  	v9 =	vor.u32 v0, v9  }
0x12e: {  	v6 =	vmul.f32 v7, v6;
	v5 =	vmul.f32 v8, v5;
	_ =	sdelay $0x1  }
0x12f: {  	v5 =	vadd.f32 v6, v5;
	(v2sf) =	vpush v2, $0x8;
	_ =	sdelay $0x1  }
0x130: {  	[tilespmem:v9+s16+$0x0] =	vst.idx.msk $0xffff, v5;
	s29 =	spop (v2sf);
	(v2sf) =	vpush v1, $0x8  }
0x131: {  	v5 =	vld [tilespmem:s29+$0x4B90];
	s30 =	spop (v2sf)  }
0x132: {  	v6 =	vld [tilespmem:s30+$0xB90]  }
0x133: {  	s31 =	sadd.s32 $0xFFFFFFF8, s24;
	v7 =	vld [tilespmem:s29+$0x4B80]  }
0x134: {  	v9 =	vmov s31;
	v8 =	vld [tilespmem:s30+$0xB80]  }
0x135: {  	v9 =	vand.u32 $0x77, v9  }
0x136: {  	v9 =	vbroadcast v9, $0x0  }
0x137: {  	v5 =	vmul.f32 v5, v6  }
0x138: {  	v6 =	vor.u32 v0, v9  }
0x139: {  	v7 =	vmul.f32 v7, v8;
	_ =	sdelay $0x1  }
0x13a: {  	v5 =	vadd.f32 v5, v7;
	(v2sf) =	vpush v2, $0x9;
	_ =	sdelay $0x1  }
0x13b: {  	[tilespmem:v6+s16+$0x0] =	vst.idx.msk $0xffff, v5;
	s29 =	spop (v2sf);
	(v2sf) =	vpush v1, $0x9  }
0x13c: {  	v5 =	vld [tilespmem:s29+$0xC00]  }
0x13d: {  	v6 =	vld [tilespmem:s29+$0xC10];
	s29 =	spop (v2sf)  }
0x13e: {  	s30 =	sadd.s32 $0xFFFFFFF9, s24;
	v7 =	vld [tilespmem:s29+$0x4C10]  }
0x13f: {  	v9 =	vmov s30;
	v8 =	vld [tilespmem:s29+$0x4C00]  }
0x140: {  	v9 =	vand.u32 $0x78, v9  }
0x141: {  	v9 =	vbroadcast v9, $0x0;
	_ =	sdelay $0x1  }
0x142: {  	v6 =	vmul.f32 v7, v6;
	v7 =	vor.u32 v0, v9  }
0x143: {  	v5 =	vmul.f32 v8, v5;
	_ =	sdelay $0x1  }
0x144: {  	v5 =	vadd.f32 v6, v5;
	(v2sf) =	vpush v2, $0xA;
	_ =	sdelay $0x1  }
0x145: {  	[tilespmem:v7+s16+$0x0] =	vst.idx.msk $0xffff, v5;
	s29 =	spop (v2sf);
	(v2sf) =	vpush v1, $0xA  }
0x146: {  	v5 =	vld [tilespmem:s29+$0xC80]  }
0x147: {  	v6 =	vld [tilespmem:s29+$0xC90];
	s29 =	spop (v2sf)  }
0x148: {  	s30 =	sadd.s32 $0xFFFFFFFA, s24;
	v7 =	vld [tilespmem:s29+$0x4C90]  }
0x149: {  	v9 =	vmov s30;
	v8 =	vld [tilespmem:s29+$0x4C80]  }
0x14a: {  	v9 =	vand.u32 $0x79, v9  }
0x14b: {  	v9 =	vbroadcast v9, $0x0;
	_ =	sdelay $0x1  }
0x14c: {  	v6 =	vmul.f32 v7, v6;
	v7 =	vor.u32 v0, v9  }
0x14d: {  	v5 =	vmul.f32 v8, v5;
	_ =	sdelay $0x1  }
0x14e: {  	v5 =	vadd.f32 v6, v5;
	(v2sf) =	vpush v2, $0xB  }
0x14f: {  	(v2sf) =	vpush v1, $0xB  }
0x150: {  	[tilespmem:v7+s16+$0x0] =	vst.idx.msk $0xffff, v5;
	s29 =	spop (v2sf)  }
0x151: {  	v5 =	vld [tilespmem:s29+$0xD00]  }
0x152: {  	v6 =	vld [tilespmem:s29+$0xD10];
	s29 =	spop (v2sf)  }
0x153: {  	s30 =	sadd.s32 $0xFFFFFFFB, s24;
	v7 =	vld [tilespmem:s29+$0x4D10]  }
0x154: {  	v9 =	vmov s30;
	v8 =	vld [tilespmem:s29+$0x4D00]  }
0x155: {  	v9 =	vand.u32 $0x7A, v9  }
0x156: {  	v9 =	vbroadcast v9, $0x0;
	_ =	sdelay $0x1  }
0x157: {  	v9 =	vor.u32 v0, v9  }
0x158: {  	v6 =	vmul.f32 v7, v6;
	v5 =	vmul.f32 v8, v5;
	_ =	sdelay $0x1  }
0x159: {  	v5 =	vadd.f32 v6, v5;
	(v2sf) =	vpush v2, $0xC  }
0x15a: {  	(v2sf) =	vpush v1, $0xC  }
0x15b: {  	[tilespmem:v9+s16+$0x0] =	vst.idx.msk $0xffff, v5;
	s29 =	spop (v2sf)  }
0x15c: {  	v5 =	vld [tilespmem:s29+$0xD90];
	s30 =	spop (v2sf)  }
0x15d: {  	v6 =	vld [tilespmem:s30+$0x4D90]  }
0x15e: {  	s31 =	sadd.s32 $0xFFFFFFFC, s24;
	v7 =	vld [tilespmem:s29+$0xD80]  }
0x15f: {  	v9 =	vmov s31;
	v8 =	vld [tilespmem:s30+$0x4D80]  }
0x160: {  	v9 =	vand.u32 $0x7B, v9  }
0x161: {  	v9 =	vbroadcast v9, $0x0;
	_ =	sdelay $0x1  }
0x162: {  	v5 =	vmul.f32 v6, v5;
	v6 =	vor.u32 v0, v9  }
0x163: {  	v7 =	vmul.f32 v8, v7;
	_ =	sdelay $0x1  }
0x164: {  	v5 =	vadd.f32 v5, v7;
	(v2sf) =	vpush v1, $0xD  }
.Ltmp1:
0x165: {  	(v2sf) =	vpush v2, $0xD;
	(pc) =	sbr.rel @p0 .LBB2_5-.Ltmp1, $4  }
0x166: {  	[tilespmem:v6+s16+$0x0] =	vst.idx.msk $0xffff, v5;
	s31 =	spop (v2sf)  }
0x167: {  	v5 =	vld [tilespmem:s31+$0xE10];
	s29 =	spop (v2sf)  }
0x168: {  	v6 =	vld [tilespmem:s29+$0x4E10]  }
0x169: {  	s30 =	sadd.s32 $0xFFFFFFFD, s24;
	v7 =	vld [tilespmem:s31+$0xE00]  }
0x16a: {  	v8 =	vld [tilespmem:s29+$0x4E00];
	v9 =	vmov s30  }
0x16b: {  	v9 =	vand.u32 $0x7C, v9  }
0x16c: {  	v9 =	vbroadcast v9, $0x0;
	_ =	sdelay $0x1  }
0x16d: {  	v9 =	vor.u32 v0, v9  }
0x16e: {  	v5 =	vmul.f32 v6, v5;
	v57 =	vmul.f32 v8, v7;
	_ =	sdelay $0x1  }
0x16f: {  	(v2sf) =	vpush v2, $0xE;
	v5 =	vadd.f32 v5, v57;
	_ =	sdelay $0x1  }
0x170: {  	[tilespmem:v9+s16+$0x0] =	vst.idx.msk $0xffff, v5;
	s24 =	spop (v2sf);
	(v2sf) =	vpush v1, $0xE  }
0x171: {  	v5 =	vld [tilespmem:s24+$0x4E90]  }
0x172: {  	s25 =	spop (v2sf);
	v59 =	vld [tilespmem:s24+$0x4E80]  }
0x173: {  	v58 =	vld [tilespmem:s25+$0xE90]  }
0x174: {  	v60 =	vld [tilespmem:s25+$0xE80];
	_ =	sdelay $0x3  }
0x175: {  	v4 =	vor.u32 v0, v4  }
0x176: {  	v5 =	vmul.f32 v5, v58;
	v61 =	vmul.f32 v59, v60;
	_ =	sdelay $0x1  }
0x177: {  	(v2sf) =	vpush v2, $0xF;
	v5 =	vadd.f32 v5, v61;
	_ =	sdelay $0x1  }
0x178: {  	s28 =	spop (v2sf);
	(v2sf) =	vpush v1, $0xF;
	[tilespmem:v4+s16+$0x0] =	vst.idx.msk $0xffff, v5  }
0x179: {  	v1 =	vld [tilespmem:s28+$0xF00]  }
0x17a: {  	v2 =	vld [tilespmem:s28+$0xF10];
	s29 =	spop (v2sf)  }
0x17b: {  	v4 =	vld [tilespmem:s29+$0x4F00]  }
0x17c: {  	v5 =	vld [tilespmem:s29+$0x4F10];
	_ =	sdelay $0x3  }
0x17d: {  	v3 =	vor.u32 v0, v3  }
0x17e: {  	v1 =	vmul.f32 v4, v1;
	v2 =	vmul.f32 v5, v2;
	_ =	sdelay $0x1  }
0x17f: {  	v1 =	vadd.f32 v2, v1;
	_ =	sdelay $0x1  }
0x180: {  	s30 =	spop (v2sf);
	[tilespmem:v3+s16+$0x0] =	vst.idx.msk $0xffff, v1  }
0x181: {  	v1 =	vld [tilespmem:s30+$0xF80]  }
0x182: {  	s31 =	spop (v2sf);
	v2 =	vld [tilespmem:s30+$0xF90]  }
0x183: {  	v3 =	vld [tilespmem:s31+$0x4F90]  }
0x184: {  	v62 =	vld [tilespmem:s31+$0x4F80];
	_ =	sdelay $0x3  }
0x185: {  	v63 =	vor.u32 s23, v0  }
0x186: {  	v2 =	vmul.f32 v3, v2;
	v1 =	vmul.f32 v62, v1;
	_ =	sdelay $0x1  }
0x187: {  	v1 =	vadd.f32 v2, v1;
	_ =	sdelay $0x1  }
0x188: {  	s23 =	simm.s32 $0x0;
	s24 =	simm.s32 $0x40;
	[tilespmem:v63+s16+$0x0] =	vst.idx.msk $0xffff, v1;
	v1 =	vmov s21  }
.LBB2_7:
0x189: {  	p0 =	sne.s32 s24, $0x1C0;
	v2 =	vld [tilespmem:s23+$0x8800];
	_ =	sdelay $0x1  }
0x18a: {  	v3 =	vld [tilespmem:s23+$0x8880];
	_ =	sdelay $0x1  }
0x18b: {  	v4 =	vld [tilespmem:s23+$0x8900]  }
0x18c: {  	v2 =	vadd.f32 $0.0e+00, v2  }
0x18d: {  	v5 =	vld [tilespmem:s23+$0x8980]  }
0x18e: {  	v2 =	vadd.f32 v3, v2  }
0x18f: {  	v3 =	vld [tilespmem:s23+$0x8A00]  }
0x190: {  	v2 =	vadd.f32 v4, v2  }
0x191: {  	v4 =	vld [tilespmem:s23+$0x8A80]  }
0x192: {  	v2 =	vadd.f32 v5, v2  }
0x193: {  	v5 =	vld [tilespmem:s23+$0x8B00]  }
0x194: {  	v2 =	vadd.f32 v3, v2  }
0x195: {  	v3 =	vld [tilespmem:s23+$0x8B80]  }
0x196: {  	v2 =	vadd.f32 v4, v2  }
0x197: {  	v4 =	vld [tilespmem:s23+$0x8C00]  }
0x198: {  	v2 =	vadd.f32 v5, v2  }
0x199: {  	v5 =	vld [tilespmem:s23+$0x8C80]  }
0x19a: {  	v2 =	vadd.f32 v3, v2  }
0x19b: {  	v3 =	vld [tilespmem:s23+$0x8D00]  }
0x19c: {  	v2 =	vadd.f32 v4, v2  }
0x19d: {  	v4 =	vld [tilespmem:s23+$0x8D80]  }
0x19e: {  	v2 =	vadd.f32 v5, v2  }
0x19f: {  	v5 =	vld [tilespmem:s23+$0x8E00]  }
0x1a0: {  	v2 =	vadd.f32 v3, v2  }
0x1a1: {  	v3 =	vld [tilespmem:s23+$0x8E80]  }
0x1a2: {  	v2 =	vadd.f32 v4, v2  }
0x1a3: {  	v4 =	vld [tilespmem:s23+$0x8F00]  }
0x1a4: {  	v2 =	vadd.f32 v5, v2  }
0x1a5: {  	v5 =	vld [tilespmem:s23+$0x8F80]  }
0x1a6: {  	v2 =	vadd.f32 v3, v2;
	_ =	sdelay $0x1  }
.Ltmp2:
0x1a7: {  	v2 =	vadd.f32 v4, v2;
	(pc) =	sbr.rel @p0 .LBB2_7-.Ltmp2, $3  }
0x1a8: {  	_ = 	snop  }
0x1a9: {  	v2 =	vadd.f32 v5, v2;
	_ =	sdelay $0x1  }
0x1aa: {  	[tilespmem:v1+s23+$0x0 ss:$0x1] =	vst.idx.msk $0xffff, v2;
	s23 =	sshra.s32 s24, $0x2;
	s24 =	sadd.s32 $0x40, s24  }
0x1ab: {  	v2 =	vld [tilespmem:s23+$0x8800];
	_ =	sdelay $0x1  }
0x1ac: {  	v3 =	vld [tilespmem:s23+$0x8880];
	_ =	sdelay $0x1  }
0x1ad: {  	v4 =	vld [tilespmem:s23+$0x8900]  }
0x1ae: {  	v2 =	vadd.f32 $0.0e+00, v2  }
0x1af: {  	v5 =	vld [tilespmem:s23+$0x8980]  }
0x1b0: {  	v2 =	vadd.f32 v3, v2  }
0x1b1: {  	v3 =	vld [tilespmem:s23+$0x8A00]  }
0x1b2: {  	v2 =	vadd.f32 v4, v2  }
0x1b3: {  	v56 =	vld [tilespmem:s23+$0x8A80]  }
0x1b4: {  	v2 =	vadd.f32 v5, v2  }
0x1b5: {  	v57 =	vld [tilespmem:s23+$0x8B00]  }
0x1b6: {  	v2 =	vadd.f32 v3, v2  }
0x1b7: {  	v3 =	vld [tilespmem:s23+$0x8B80]  }
0x1b8: {  	v2 =	vadd.f32 v56, v2  }
0x1b9: {  	v58 =	vld [tilespmem:s23+$0x8C00]  }
0x1ba: {  	v2 =	vadd.f32 v57, v2  }
0x1bb: {  	v59 =	vld [tilespmem:s23+$0x8C80]  }
0x1bc: {  	v2 =	vadd.f32 v3, v2  }
0x1bd: {  	v3 =	vld [tilespmem:s23+$0x8D00]  }
0x1be: {  	v2 =	vadd.f32 v58, v2  }
0x1bf: {  	v60 =	vld [tilespmem:s23+$0x8D80]  }
0x1c0: {  	v2 =	vadd.f32 v59, v2  }
0x1c1: {  	v61 =	vld [tilespmem:s23+$0x8E00]  }
0x1c2: {  	v2 =	vadd.f32 v3, v2  }
0x1c3: {  	v3 =	vld [tilespmem:s23+$0x8E80]  }
0x1c4: {  	v2 =	vadd.f32 v60, v2  }
0x1c5: {  	v62 =	vld [tilespmem:s23+$0x8F00]  }
0x1c6: {  	v2 =	vadd.f32 v61, v2  }
0x1c7: {  	v63 =	vld [tilespmem:s23+$0x8F80]  }
0x1c8: {  	s22 =	sadd.s32 $0x1, s22;
	v2 =	vadd.f32 v3, v2  }
0x1c9: {  	p0 =	sne.s32 s22, $0x4  }
.Ltmp3:
0x1ca: {  	v2 =	vadd.f32 v62, v2;
	(pc) =	sbr.rel @p0 .LBB2_4-.Ltmp3, $3  }
0x1cb: {  	_ = 	snop  }
0x1cc: {  	v2 =	vadd.f32 v63, v2;
	_ =	sdelay $0x1  }
0x1cd: {  	s19 =	sadd.s32 $0x80, s19;
	s20 =	sadd.s32 $0x80, s20;
	s21 =	sadd.s32 $0x80, s21;
	[tilespmem:v1+s23+$0x0 ss:$0x1] =	vst.idx.msk $0xffff, v2  }
0x1ce: {  	s18 =	sadd.s32 $0x1, s18  }
0x1cf: {  	p0 =	sne.s32 s18, s8  }
.Ltmp4:
0x1d0: {  	_ = 	snop;
	(pc) =	sbr.rel @p0 .LBB2_1-.Ltmp4, $4  }
0x1d1: {  	[hbm4b:s7+s1] =	stream.linear.scatter [tilespmem:s17], [sflag:$0x3], $0x200, $0x38;
	[tilespmem:$0x9200] =	vst v63  }
0x1d2: {  	_ =	swait.ge [sflag:s9], $0x200  }
0x1d3: {  	[sflag:s9] =	ssyncset.done $0x0  }
0x1d4: {  	[sflag:s9] =	ssyncadd.s32 $0xFFFFFE00  }
0x1d5: {  	_ =	sfence.sel $0x180000  }
0x1d6: {  	[bflag:$0x0] =	sbarrier.arrive $0xFFFF  }
0x1d7: {  	p0 =	sne.s32 s2, $0x0;
	_ =	strace $0x90000047  }
0x1d8: {  	s0 =	sadd.s32 @!p0 $0x100000, s0;
	[bflag:$0x2] =	sbarrier.arrive $0xFFFF  }
0x1d9: {  	[sflag:s0] =	ssyncadd.tile.s32 @!p0 $0x1;
	_ =	shalt  }
.Lfunc_end2:
_tile_overlayer_lowered:
.L_overlay_start_2:
0x1da: {  	(tag) =	ssettag $0x2  }
0x1db: {  	s0 =	rddreg [dreg:$0x0];
	s2 =	stileid.u32  }
0x1dc: {  	s1 =	rddreg [dreg:$0x1];
	p0 =	sne.s32 s2, $0x0  }
0x1dd: {  	s3 =	rddreg [dreg:$0x2];
	[bflag:$0x3] =	sbarrier.arrive $0xFFFF;
	s2 =	simm.s32 @!p0 $0x1C03  }
0x1de: {  	[timem:s3], [sflag:s2] =	dma.local @!p0 [hbm:s0], s1  }
0x1df: {  	s0 =	simm.s32 @!p0 $0x3  }
0x1e0: {  	_ =	swait.ge @!p0 [sflag:s0], s1  }
0x1e1: {  	s1 =	ssub.s32 @!p0 $0x0, s1;
	[sflag:s0] =	ssyncset.done @!p0 $0x0  }
0x1e2: {  	[sflag:s0] =	ssyncadd.s32 @!p0 s1  }
0x1e3: {  	[bflag:$0x3] =	sbarrier.arrive $0xFFFF  }
0x1e4: {  	_ =	shalt  }

</sc_bundles>
